<compile_context>
chip_gen: v7x
topology: tpu7x:2x2x1
jax: 0.10.2.dev20260603
libtpu: 0.0.44.dev20260713+nightly
codegen_flags: <defaults>
</compile_context>

<pallas_src>
import functools

import jax
import jax.numpy as jnp
from jax import lax
from jax.experimental import pallas as pl
from jax.experimental.pallas import tpu as pltpu
from jax.experimental.pallas import tpu_sc as plsc

_LANES = 16


def _linearize_table(tableT):
    E, V = tableT.shape
    bc = 4096
    hb = bc // 2
    nbf = V // bc
    rem = V - nbf * bc
    nb = nbf + (1 if rem else 0)
    out_sds = jax.ShapeDtypeStruct((nb * hb, 2 * E), jnp.float32)

    def body(tt_ref, o_ref):
        e_ids = jax.lax.broadcasted_iota(jnp.int32, (E, 2 * E), 0)
        q_ids = jax.lax.broadcasted_iota(jnp.int32, (E, 2 * E), 1)
        g1 = (q_ids == e_ids).astype(jnp.float32)
        g2 = (q_ids == e_ids + E).astype(jnp.float32)
        dg = (((0,), (0,)), ((), ()))
        o_ref[...] = (
            lax.dot_general(tt_ref[:, :hb], g1, dg,
                            preferred_element_type=jnp.float32)
            + lax.dot_general(tt_ref[:, hb:], g2, dg,
                              preferred_element_type=jnp.float32))

    main = pl.pallas_call(
        body,
        grid=(nbf,),
        in_specs=[pl.BlockSpec((E, bc), lambda c: (0, c))],
        out_specs=pl.BlockSpec((hb, 2 * E), lambda c: (c, 0)),
        out_shape=out_sds,
    )(tableT)
    if not rem:
        return main

    tail = jnp.pad(lax.slice(tableT, (0, nbf * bc), (E, V)),
                   ((0, 0), (0, bc - rem)))

    def body2(prev_ref, tt_ref, o_ref):
        del prev_ref
        body(tt_ref, o_ref)

    return pl.pallas_call(
        body2,
        grid=(1,),
        in_specs=[
            pl.BlockSpec(memory_space=pl.MemorySpace.ANY),
            pl.BlockSpec((E, bc), lambda c: (0, 0)),
        ],
        out_specs=pl.BlockSpec((hb, 2 * E), lambda c: (nbf, 0)),
        out_shape=out_sds,
        input_output_aliases={0: 0},
    )(main, tail)


@functools.partial(jax.jit, static_argnames=("nchunk", "k"))
def _pool(idx2, table, *, nchunk, k):
    B, L = idx2.shape
    assert L == nchunk * k
    E = table.shape[1]

    info = plsc.get_sparse_core_info()
    nw = info.num_cores * info.num_subcores
    bpw = B // nw
    ncol = E // _LANES
    runroll = 8

    mesh = plsc.VectorSubcoreMesh(core_axis_name="c", subcore_axis_name="s")

    nbuf = 4

    @functools.partial(
        pl.kernel,
        out_type=jax.ShapeDtypeStruct((B, E), jnp.float32),
        mesh=mesh,
        scratch_types=[
            pltpu.VMEM((bpw, L), jnp.int32),
            pltpu.VMEM((nbuf, L, E), jnp.float32),
            pltpu.VMEM((bpw, E), jnp.float32),
        ] + [pltpu.SemaphoreType.DMA] * nbuf,
        compiler_params=pltpu.CompilerParams(use_tc_tiling_on_sc=False),
    )
    def pool(texts_hbm, table_hbm, out_hbm, idx_v, rows_v, pooled_v,
             *sems):
        wid = lax.axis_index("s") * info.num_cores + lax.axis_index("c")
        base = wid * bpw

        pltpu.sync_copy(texts_hbm.at[pl.ds(base, bpw)], idx_v)

        chunks = ((0, 104), (104, L - 104)) if L > 104 else ((0, L),)

        def gather_bag(b, u):
            for (o, n) in chunks:
                pltpu.async_copy(
                    table_hbm.at[idx_v.at[b, pl.ds(o, n)]],
                    rows_v.at[u, pl.ds(o, n)],
                    sems[u],
                )

        def drain_bag(b, u):
            for (o, n) in chunks:
                pltpu.make_async_copy(
                    table_hbm.at[idx_v.at[b, pl.ds(o, n)]],
                    rows_v.at[u, pl.ds(o, n)],
                    sems[u],
                ).wait()

        inv_l = jnp.float32(1.0 / L)

        def reduce_bag(b, u):
            def rbody(r, accs):
                out = list(accs)
                for v in range(runroll):
                    row = r * runroll + v
                    for c in range(ncol):
                        out[c] = out[c] + rows_v[u, row,
                                                 pl.ds(c * _LANES, _LANES)]
                return tuple(out)

            zero = jnp.zeros((_LANES,), jnp.float32)
            accs = lax.fori_loop(0, L // runroll, rbody, (zero,) * ncol)
            for c in range(ncol):
                pooled_v[b, pl.ds(c * _LANES, _LANES)] = accs[c] * inv_l

        for u in range(nbuf - 1):
            gather_bag(u, u)

        def body(q, carry):
            bq = nbuf * q
            for u in range(nbuf):
                b = bq + u
                nxt = b + nbuf - 1

                @pl.when(nxt < bpw)
                def _():
                    gather_bag(nxt, (u + nbuf - 1) % nbuf)

                drain_bag(b, u)
                reduce_bag(b, u)
            return carry

        lax.fori_loop(0, bpw // nbuf, body, 0)

        pltpu.sync_copy(pooled_v, out_hbm.at[pl.ds(base, bpw)])

    return pool(idx2, table)


def _mlp(pooled, W1, b1, W2, b2):
    B, E = pooled.shape
    H = W1.shape[1]
    C = W2.shape[1]
    W1T = W1.T
    W2T = W2.T
    cb = 600
    grid = (pl.cdiv(C, cb),)

    def body(p_ref, w1t_ref, b1_ref, w2t_ref, b2_ref, ot_ref):
        ht = jax.lax.dot_general(
            w1t_ref[...], p_ref[...], (((1,), (1,)), ((), ())),
            preferred_element_type=jnp.float32) + b1_ref[...]
        ht = jnp.maximum(ht, 0.0)
        ot = jnp.dot(w2t_ref[...], ht, preferred_element_type=jnp.float32)
        ot_ref[...] = ot + b2_ref[...]

    outT = pl.pallas_call(
        body,
        grid=grid,
        in_specs=[
            pl.BlockSpec((B, E), lambda j: (0, 0)),
            pl.BlockSpec((H, E), lambda j: (0, 0)),
            pl.BlockSpec((H, 1), lambda j: (0, 0)),
            pl.BlockSpec((cb, H), lambda j: (j, 0)),
            pl.BlockSpec((cb, 1), lambda j: (j, 0)),
        ],
        out_specs=pl.BlockSpec((cb, B), lambda j: (j, 0)),
        out_shape=jax.ShapeDtypeStruct((C, B), jnp.float32),
    )(pooled, W1T, b1.reshape(H, 1), W2T, b2.reshape(C, 1))
    return outT.T


def kernel(texts, table, W1, b1, W2, b2):
    B, L = texts.shape
    V, E = table.shape
    nchunk = 5
    k = L // nchunk
    packed = _linearize_table(table.T)
    rows2 = packed.shape[0] * 2
    table_p = packed.reshape(rows2, E)
    ti = texts.astype(jnp.int32)
    g_idx = ((ti >> 12) << 12) | ((ti & 2047) << 1) | ((ti >> 11) & 1)
    pooled = _pool(g_idx, table_p, nchunk=nchunk, k=k)
    return _mlp(pooled, W1, b1, W2, b2)

# --- scband reference (transcript-rebuilt; emitter-appended) ---
"""Pipeline reference for scband-bag-of-embeddings-17643725652582 (READ-ONLY COPY).

The authoritative reference and input builder live on the scoring server;
editing this copy changes nothing except your own understanding.
"""

import jax, jax.numpy as jnp
import numpy as np

VOCAB = 100000
EMB_DIM = 64
HIDDEN = 256
NUM_CLASS = 3000
BATCH = 4096
HIST = 200

def setup_inputs(seed: int = 0) -> dict:
    key = jax.random.key(seed)
    k0, k1, k2, k3, k4, k5 = jax.random.split(key, 6)
    texts = jax.random.randint(k0, (BATCH, HIST), 0, VOCAB, dtype=jnp.int64)
    table = jax.random.normal(k1, (VOCAB, EMB_DIM), dtype=jnp.float32) * 0.02
    W1 = jax.random.normal(k2, (EMB_DIM, HIDDEN), dtype=jnp.float32) * (1.0 / np.sqrt(EMB_DIM))
    b1 = jnp.zeros((HIDDEN,), dtype=jnp.float32)
    W2 = jax.random.normal(k3, (HIDDEN, NUM_CLASS), dtype=jnp.float32) * (1.0 / np.sqrt(HIDDEN))
    b2 = jnp.zeros((NUM_CLASS,), dtype=jnp.float32)
    return {"texts": texts, "table": table, "W1": W1, "b1": b1, "W2": W2, "b2": b2}

def reference(texts, table, W1, b1, W2, b2):
    # embedding lookup (SparseCore gather)
    emb = jnp.take(table, texts, axis=0)          # [B, L, E]
    pooled = jnp.mean(emb, axis=1)                # [B, E]
    h = pooled @ W1 + b1                          # [B, H]
    h = jax.nn.relu(h)
    # dropout is identity at inference
    out = h @ W2 + b2                             # [B, C]
    return out

if __name__ == "__main__":
    import jax
    _d = setup_inputs()
    print(jax.jit(kernel)(*tuple(_d.values())))

</pallas_src>

<mosaic_0001>
#map = affine_map<(d0, d1) -> (0, 0)>
module attributes {stable_mosaic.version = 14 : i64} {
  func.func @pool(%arg0: i32, %arg1: i32, %arg2: memref<4096x200xi32, #tpu.memory_space<hbm>>, %arg3: memref<102400x64xf32, #tpu.memory_space<hbm>>, %arg4: memref<4096x64xf32, #tpu.memory_space<hbm>>, %arg5: memref<128x200xi32, #tpu.memory_space<vmem>>, %arg6: memref<4x200x64xf32, #tpu.memory_space<vmem>>, %arg7: memref<128x64xf32, #tpu.memory_space<vmem>>, %arg8: memref<!tpu.dma_semaphore, #tpu.memory_space<semaphore_mem>>, %arg9: memref<!tpu.dma_semaphore, #tpu.memory_space<semaphore_mem>>, %arg10: memref<!tpu.dma_semaphore, #tpu.memory_space<semaphore_mem>>, %arg11: memref<!tpu.dma_semaphore, #tpu.memory_space<semaphore_mem>>) attributes {dimension_semantics = [#tpu.dimension_semantics<core_parallel>, #tpu.dimension_semantics<subcore_parallel>], iteration_bounds = array<i64: 2, 16>, scalar_prefetch = 0 : i64, scratch_operands = 7 : i64, tpu.core_type = #tpu.core_type<sc_vector_subcore>, window_params = [{transform_indices = #map}, {transform_indices = #map}, {transform_indices = #map}]} {
    %mul3A = arith.constant 2 : i32
    %mul3A_0 = arith.muli %arg1, %mul3A : i32
    %add3A = arith.addi %mul3A_0, %arg0 : i32
    %mul3A_1 = arith.constant 128 : i32
    %mul3A_2 = arith.muli %add3A, %mul3A_1 : i32
    "tpu.region"() ({
      %run_scoped3A = tpu.sem_alloc : memref<!tpu.dma_semaphore, #tpu.memory_space<semaphore_mem>>
      %dma_start3A_80 = arith.constant 0 : i32
      %dma_start3A_81 = tpu.memref_slice %arg2[%mul3A_2, %dma_start3A_80] : memref<4096x200xi32, #tpu.memory_space<hbm>> -> memref<128x200xi32, #tpu.memory_space<hbm>>
      %dma_start3A_82 = arith.constant 0 : i32
      %dma_start3A_83 = tpu.memref_slice %arg2[%mul3A_2, %dma_start3A_82] : memref<4096x200xi32, #tpu.memory_space<hbm>> -> memref<128x200xi32, #tpu.memory_space<hbm>>
      tpu.enqueue_dma source(%dma_start3A_83 : memref<128x200xi32, #tpu.memory_space<hbm>>) target(%arg5 : memref<128x200xi32, #tpu.memory_space<vmem>>) target_semaphore(%run_scoped3A : memref<!tpu.dma_semaphore, #tpu.memory_space<semaphore_mem>>)
      %dma_wait3A = arith.constant 0 : i32
      %dma_wait3A_84 = tpu.memref_slice %arg2[%mul3A_2, %dma_wait3A] : memref<4096x200xi32, #tpu.memory_space<hbm>> -> memref<128x200xi32, #tpu.memory_space<hbm>>
      %dma_wait3A_85 = arith.constant 0 : i32
      %dma_wait3A_86 = tpu.memref_slice %arg2[%mul3A_2, %dma_wait3A_85] : memref<4096x200xi32, #tpu.memory_space<hbm>> -> memref<128x200xi32, #tpu.memory_space<hbm>>
      tpu.wait_dma2 semaphore(%run_scoped3A : memref<!tpu.dma_semaphore, #tpu.memory_space<semaphore_mem>>) src(%dma_wait3A_86 : memref<128x200xi32, #tpu.memory_space<hbm>>) dst(%arg5 : memref<128x200xi32, #tpu.memory_space<vmem>>)
      tpu.yield
    }) : () -> ()
    %dma_start3A = arith.constant 0 : i32
    %dma_start3A_3 = arith.constant 0 : i32
    %dma_start3A_4 = arith.constant 0 : i32
    %dma_start3A_5 = arith.constant 0 : i32
    %dma_start3A_6 = tpu.memref_slice %arg6[%dma_start3A_3, %dma_start3A_4, %dma_start3A_5] : memref<4x200x64xf32, #tpu.memory_space<vmem>> -> memref<1x104x64xf32, #tpu.memory_space<vmem>>
    %dma_start3A_7 = tpu.memref_squeeze %dma_start3A_6 : memref<1x104x64xf32, #tpu.memory_space<vmem>> -> memref<104x64xf32, #tpu.memory_space<vmem>>
    %dma_start3A_8 = arith.constant 0 : i32
    %dma_start3A_9 = tpu.memref_slice %arg5[%dma_start3A, %dma_start3A_8] : memref<128x200xi32, #tpu.memory_space<vmem>> -> memref<1x104xi32, #tpu.memory_space<vmem>>
    %dma_start3A_10 = tpu.memref_squeeze %dma_start3A_9 : memref<1x104xi32, #tpu.memory_space<vmem>> -> memref<104xi32, #tpu.memory_space<vmem>>
    %dma_start3A_11 = arith.constant 0 : i32
    %dma_start3A_12 = arith.constant 0 : i32
    %dma_start3A_13 = tpu.memref_slice %arg3[%dma_start3A_11, %dma_start3A_12] : memref<102400x64xf32, #tpu.memory_space<hbm>> -> memref<102400x64xf32, #tpu.memory_space<hbm>>
    tpu.enqueue_indirect_dma source(%dma_start3A_13 : memref<102400x64xf32, #tpu.memory_space<hbm>>) target(%dma_start3A_7 : memref<104x64xf32, #tpu.memory_space<vmem>>) offsets(%dma_start3A_10 : memref<104xi32, #tpu.memory_space<vmem>>) semaphore(%arg8 : memref<!tpu.dma_semaphore, #tpu.memory_space<semaphore_mem>>)
    %dma_start3A_14 = arith.constant 0 : i32
    %dma_start3A_15 = arith.constant 0 : i32
    %dma_start3A_16 = arith.constant 104 : i32
    %dma_start3A_17 = arith.constant 0 : i32
    %dma_start3A_18 = tpu.memref_slice %arg6[%dma_start3A_15, %dma_start3A_16, %dma_start3A_17] : memref<4x200x64xf32, #tpu.memory_space<vmem>> -> memref<1x96x64xf32, #tpu.memory_space<vmem>>
    %dma_start3A_19 = tpu.memref_squeeze %dma_start3A_18 : memref<1x96x64xf32, #tpu.memory_space<vmem>> -> memref<96x64xf32, #tpu.memory_space<vmem>>
    %dma_start3A_20 = arith.constant 104 : i32
    %dma_start3A_21 = tpu.memref_slice %arg5[%dma_start3A_14, %dma_start3A_20] : memref<128x200xi32, #tpu.memory_space<vmem>> -> memref<1x96xi32, #tpu.memory_space<vmem>>
    %dma_start3A_22 = tpu.memref_squeeze %dma_start3A_21 : memref<1x96xi32, #tpu.memory_space<vmem>> -> memref<96xi32, #tpu.memory_space<vmem>>
    %dma_start3A_23 = arith.constant 0 : i32
    %dma_start3A_24 = arith.constant 0 : i32
    %dma_start3A_25 = tpu.memref_slice %arg3[%dma_start3A_23, %dma_start3A_24] : memref<102400x64xf32, #tpu.memory_space<hbm>> -> memref<102400x64xf32, #tpu.memory_space<hbm>>
    tpu.enqueue_indirect_dma source(%dma_start3A_25 : memref<102400x64xf32, #tpu.memory_space<hbm>>) target(%dma_start3A_19 : memref<96x64xf32, #tpu.memory_space<vmem>>) offsets(%dma_start3A_22 : memref<96xi32, #tpu.memory_space<vmem>>) semaphore(%arg8 : memref<!tpu.dma_semaphore, #tpu.memory_space<semaphore_mem>>)
    %dma_start3A_26 = arith.constant 1 : i32
    %dma_start3A_27 = arith.constant 1 : i32
    %dma_start3A_28 = arith.constant 0 : i32
    %dma_start3A_29 = arith.constant 0 : i32
    %dma_start3A_30 = tpu.memref_slice %arg6[%dma_start3A_27, %dma_start3A_28, %dma_start3A_29] : memref<4x200x64xf32, #tpu.memory_space<vmem>> -> memref<1x104x64xf32, #tpu.memory_space<vmem>>
    %dma_start3A_31 = tpu.memref_squeeze %dma_start3A_30 : memref<1x104x64xf32, #tpu.memory_space<vmem>> -> memref<104x64xf32, #tpu.memory_space<vmem>>
    %dma_start3A_32 = arith.constant 0 : i32
    %dma_start3A_33 = tpu.memref_slice %arg5[%dma_start3A_26, %dma_start3A_32] : memref<128x200xi32, #tpu.memory_space<vmem>> -> memref<1x104xi32, #tpu.memory_space<vmem>>
    %dma_start3A_34 = tpu.memref_squeeze %dma_start3A_33 : memref<1x104xi32, #tpu.memory_space<vmem>> -> memref<104xi32, #tpu.memory_space<vmem>>
    %dma_start3A_35 = arith.constant 0 : i32
    %dma_start3A_36 = arith.constant 0 : i32
    %dma_start3A_37 = tpu.memref_slice %arg3[%dma_start3A_35, %dma_start3A_36] : memref<102400x64xf32, #tpu.memory_space<hbm>> -> memref<102400x64xf32, #tpu.memory_space<hbm>>
    tpu.enqueue_indirect_dma source(%dma_start3A_37 : memref<102400x64xf32, #tpu.memory_space<hbm>>) target(%dma_start3A_31 : memref<104x64xf32, #tpu.memory_space<vmem>>) offsets(%dma_start3A_34 : memref<104xi32, #tpu.memory_space<vmem>>) semaphore(%arg9 : memref<!tpu.dma_semaphore, #tpu.memory_space<semaphore_mem>>)
    %dma_start3A_38 = arith.constant 1 : i32
    %dma_start3A_39 = arith.constant 1 : i32
    %dma_start3A_40 = arith.constant 104 : i32
    %dma_start3A_41 = arith.constant 0 : i32
    %dma_start3A_42 = tpu.memref_slice %arg6[%dma_start3A_39, %dma_start3A_40, %dma_start3A_41] : memref<4x200x64xf32, #tpu.memory_space<vmem>> -> memref<1x96x64xf32, #tpu.memory_space<vmem>>
    %dma_start3A_43 = tpu.memref_squeeze %dma_start3A_42 : memref<1x96x64xf32, #tpu.memory_space<vmem>> -> memref<96x64xf32, #tpu.memory_space<vmem>>
    %dma_start3A_44 = arith.constant 104 : i32
    %dma_start3A_45 = tpu.memref_slice %arg5[%dma_start3A_38, %dma_start3A_44] : memref<128x200xi32, #tpu.memory_space<vmem>> -> memref<1x96xi32, #tpu.memory_space<vmem>>
    %dma_start3A_46 = tpu.memref_squeeze %dma_start3A_45 : memref<1x96xi32, #tpu.memory_space<vmem>> -> memref<96xi32, #tpu.memory_space<vmem>>
    %dma_start3A_47 = arith.constant 0 : i32
    %dma_start3A_48 = arith.constant 0 : i32
    %dma_start3A_49 = tpu.memref_slice %arg3[%dma_start3A_47, %dma_start3A_48] : memref<102400x64xf32, #tpu.memory_space<hbm>> -> memref<102400x64xf32, #tpu.memory_space<hbm>>
    tpu.enqueue_indirect_dma source(%dma_start3A_49 : memref<102400x64xf32, #tpu.memory_space<hbm>>) target(%dma_start3A_43 : memref<96x64xf32, #tpu.memory_space<vmem>>) offsets(%dma_start3A_46 : memref<96xi32, #tpu.memory_space<vmem>>) semaphore(%arg9 : memref<!tpu.dma_semaphore, #tpu.memory_space<semaphore_mem>>)
    %dma_start3A_50 = arith.constant 2 : i32
    %dma_start3A_51 = arith.constant 2 : i32
    %dma_start3A_52 = arith.constant 0 : i32
    %dma_start3A_53 = arith.constant 0 : i32
    %dma_start3A_54 = tpu.memref_slice %arg6[%dma_start3A_51, %dma_start3A_52, %dma_start3A_53] : memref<4x200x64xf32, #tpu.memory_space<vmem>> -> memref<1x104x64xf32, #tpu.memory_space<vmem>>
    %dma_start3A_55 = tpu.memref_squeeze %dma_start3A_54 : memref<1x104x64xf32, #tpu.memory_space<vmem>> -> memref<104x64xf32, #tpu.memory_space<vmem>>
    %dma_start3A_56 = arith.constant 0 : i32
    %dma_start3A_57 = tpu.memref_slice %arg5[%dma_start3A_50, %dma_start3A_56] : memref<128x200xi32, #tpu.memory_space<vmem>> -> memref<1x104xi32, #tpu.memory_space<vmem>>
    %dma_start3A_58 = tpu.memref_squeeze %dma_start3A_57 : memref<1x104xi32, #tpu.memory_space<vmem>> -> memref<104xi32, #tpu.memory_space<vmem>>
    %dma_start3A_59 = arith.constant 0 : i32
    %dma_start3A_60 = arith.constant 0 : i32
    %dma_start3A_61 = tpu.memref_slice %arg3[%dma_start3A_59, %dma_start3A_60] : memref<102400x64xf32, #tpu.memory_space<hbm>> -> memref<102400x64xf32, #tpu.memory_space<hbm>>
    tpu.enqueue_indirect_dma source(%dma_start3A_61 : memref<102400x64xf32, #tpu.memory_space<hbm>>) target(%dma_start3A_55 : memref<104x64xf32, #tpu.memory_space<vmem>>) offsets(%dma_start3A_58 : memref<104xi32, #tpu.memory_space<vmem>>) semaphore(%arg10 : memref<!tpu.dma_semaphore, #tpu.memory_space<semaphore_mem>>)
    %dma_start3A_62 = arith.constant 2 : i32
    %dma_start3A_63 = arith.constant 2 : i32
    %dma_start3A_64 = arith.constant 104 : i32
    %dma_start3A_65 = arith.constant 0 : i32
    %dma_start3A_66 = tpu.memref_slice %arg6[%dma_start3A_63, %dma_start3A_64, %dma_start3A_65] : memref<4x200x64xf32, #tpu.memory_space<vmem>> -> memref<1x96x64xf32, #tpu.memory_space<vmem>>
    %dma_start3A_67 = tpu.memref_squeeze %dma_start3A_66 : memref<1x96x64xf32, #tpu.memory_space<vmem>> -> memref<96x64xf32, #tpu.memory_space<vmem>>
    %dma_start3A_68 = arith.constant 104 : i32
    %dma_start3A_69 = tpu.memref_slice %arg5[%dma_start3A_62, %dma_start3A_68] : memref<128x200xi32, #tpu.memory_space<vmem>> -> memref<1x96xi32, #tpu.memory_space<vmem>>
    %dma_start3A_70 = tpu.memref_squeeze %dma_start3A_69 : memref<1x96xi32, #tpu.memory_space<vmem>> -> memref<96xi32, #tpu.memory_space<vmem>>
    %dma_start3A_71 = arith.constant 0 : i32
    %dma_start3A_72 = arith.constant 0 : i32
    %dma_start3A_73 = tpu.memref_slice %arg3[%dma_start3A_71, %dma_start3A_72] : memref<102400x64xf32, #tpu.memory_space<hbm>> -> memref<102400x64xf32, #tpu.memory_space<hbm>>
    tpu.enqueue_indirect_dma source(%dma_start3A_73 : memref<102400x64xf32, #tpu.memory_space<hbm>>) target(%dma_start3A_67 : memref<96x64xf32, #tpu.memory_space<vmem>>) offsets(%dma_start3A_70 : memref<96xi32, #tpu.memory_space<vmem>>) semaphore(%arg10 : memref<!tpu.dma_semaphore, #tpu.memory_space<semaphore_mem>>)
    %scan3A = arith.constant 0 : i32
    %scan3A_74 = arith.constant 5.000000e-03 : f32
    %scan3A_75 = arith.constant 0 : i32
    %scan3A_76 = arith.constant 32 : i32
    %scan3A_77 = arith.addi %scan3A_75, %scan3A_76 : i32
    %scan3A_78 = arith.constant 1 : i32
    scf.for %scan3A_80 = %scan3A_75 to %scan3A_77 step %scan3A_78  : i32 {
      %mul3A_81 = arith.constant 4 : i32
      %mul3A_82 = arith.muli %mul3A_81, %scan3A_80 : i32
      %add3A_83 = arith.constant 0 : i32
      %add3A_84 = arith.addi %mul3A_82, %add3A_83 : i32
      %add3A_85 = arith.constant 4 : i32
      %add3A_86 = arith.addi %add3A_84, %add3A_85 : i32
      %sub3A = arith.constant 1 : i32
      %sub3A_87 = arith.subi %add3A_86, %sub3A : i32
      %lt3A = arith.constant 128 : i32
      %lt3A_88 = arith.cmpi slt, %sub3A_87, %lt3A : i32
      %convert_element_type3A = arith.extui %lt3A_88 : i1 to i32
      %cond3A = arith.constant 0 : i32
      %cond3A_89 = arith.cmpi ne, %convert_element_type3A, %cond3A : i32
      scf.if %cond3A_89 {
        %dma_start3A_352 = arith.constant 3 : i32
        %dma_start3A_353 = arith.constant 0 : i32
        %dma_start3A_354 = arith.constant 0 : i32
        %dma_start3A_355 = tpu.memref_slice %arg6[%dma_start3A_352, %dma_start3A_353, %dma_start3A_354] : memref<4x200x64xf32, #tpu.memory_space<vmem>> -> memref<1x104x64xf32, #tpu.memory_space<vmem>>
        %dma_start3A_356 = tpu.memref_squeeze %dma_start3A_355 : memref<1x104x64xf32, #tpu.memory_space<vmem>> -> memref<104x64xf32, #tpu.memory_space<vmem>>
        %dma_start3A_357 = arith.constant 0 : i32
        %dma_start3A_358 = tpu.memref_slice %arg5[%sub3A_87, %dma_start3A_357] : memref<128x200xi32, #tpu.memory_space<vmem>> -> memref<1x104xi32, #tpu.memory_space<vmem>>
        %dma_start3A_359 = tpu.memref_squeeze %dma_start3A_358 : memref<1x104xi32, #tpu.memory_space<vmem>> -> memref<104xi32, #tpu.memory_space<vmem>>
        %dma_start3A_360 = arith.constant 0 : i32
        %dma_start3A_361 = arith.constant 0 : i32
        %dma_start3A_362 = tpu.memref_slice %arg3[%dma_start3A_360, %dma_start3A_361] : memref<102400x64xf32, #tpu.memory_space<hbm>> -> memref<102400x64xf32, #tpu.memory_space<hbm>>
        tpu.enqueue_indirect_dma source(%dma_start3A_362 : memref<102400x64xf32, #tpu.memory_space<hbm>>) target(%dma_start3A_356 : memref<104x64xf32, #tpu.memory_space<vmem>>) offsets(%dma_start3A_359 : memref<104xi32, #tpu.memory_space<vmem>>) semaphore(%arg11 : memref<!tpu.dma_semaphore, #tpu.memory_space<semaphore_mem>>)
        %dma_start3A_363 = arith.constant 3 : i32
        %dma_start3A_364 = arith.constant 104 : i32
        %dma_start3A_365 = arith.constant 0 : i32
        %dma_start3A_366 = tpu.memref_slice %arg6[%dma_start3A_363, %dma_start3A_364, %dma_start3A_365] : memref<4x200x64xf32, #tpu.memory_space<vmem>> -> memref<1x96x64xf32, #tpu.memory_space<vmem>>
        %dma_start3A_367 = tpu.memref_squeeze %dma_start3A_366 : memref<1x96x64xf32, #tpu.memory_space<vmem>> -> memref<96x64xf32, #tpu.memory_space<vmem>>
        %dma_start3A_368 = arith.constant 104 : i32
        %dma_start3A_369 = tpu.memref_slice %arg5[%sub3A_87, %dma_start3A_368] : memref<128x200xi32, #tpu.memory_space<vmem>> -> memref<1x96xi32, #tpu.memory_space<vmem>>
        %dma_start3A_370 = tpu.memref_squeeze %dma_start3A_369 : memref<1x96xi32, #tpu.memory_space<vmem>> -> memref<96xi32, #tpu.memory_space<vmem>>
        %dma_start3A_371 = arith.constant 0 : i32
        %dma_start3A_372 = arith.constant 0 : i32
        %dma_start3A_373 = tpu.memref_slice %arg3[%dma_start3A_371, %dma_start3A_372] : memref<102400x64xf32, #tpu.memory_space<hbm>> -> memref<102400x64xf32, #tpu.memory_space<hbm>>
        tpu.enqueue_indirect_dma source(%dma_start3A_373 : memref<102400x64xf32, #tpu.memory_space<hbm>>) target(%dma_start3A_367 : memref<96x64xf32, #tpu.memory_space<vmem>>) offsets(%dma_start3A_370 : memref<96xi32, #tpu.memory_space<vmem>>) semaphore(%arg11 : memref<!tpu.dma_semaphore, #tpu.memory_space<semaphore_mem>>)
      } else {
      }
      %dma_wait3A = arith.constant 0 : i32
      %dma_wait3A_90 = arith.constant 0 : i32
      %dma_wait3A_91 = arith.constant 0 : i32
      %dma_wait3A_92 = tpu.memref_slice %arg6[%dma_wait3A, %dma_wait3A_90, %dma_wait3A_91] : memref<4x200x64xf32, #tpu.memory_space<vmem>> -> memref<1x104x64xf32, #tpu.memory_space<vmem>>
      %dma_wait3A_93 = tpu.memref_squeeze %dma_wait3A_92 : memref<1x104x64xf32, #tpu.memory_space<vmem>> -> memref<104x64xf32, #tpu.memory_space<vmem>>
      %dma_wait3A_94 = arith.constant 0 : i32
      %dma_wait3A_95 = tpu.memref_slice %arg5[%add3A_84, %dma_wait3A_94] : memref<128x200xi32, #tpu.memory_space<vmem>> -> memref<1x104xi32, #tpu.memory_space<vmem>>
      %dma_wait3A_96 = tpu.memref_squeeze %dma_wait3A_95 : memref<1x104xi32, #tpu.memory_space<vmem>> -> memref<104xi32, #tpu.memory_space<vmem>>
      %dma_wait3A_97 = arith.constant 0 : i32
      %dma_wait3A_98 = arith.constant 0 : i32
      %dma_wait3A_99 = tpu.memref_slice %arg3[%dma_wait3A_97, %dma_wait3A_98] : memref<102400x64xf32, #tpu.memory_space<hbm>> -> memref<102400x64xf32, #tpu.memory_space<hbm>>
      tpu.wait_indirect_dma semaphore(%arg8 : memref<!tpu.dma_semaphore, #tpu.memory_space<semaphore_mem>>) src(%dma_wait3A_99 : memref<102400x64xf32, #tpu.memory_space<hbm>>) dst(%dma_wait3A_93 : memref<104x64xf32, #tpu.memory_space<vmem>>)
      %dma_wait3A_100 = arith.constant 0 : i32
      %dma_wait3A_101 = arith.constant 104 : i32
      %dma_wait3A_102 = arith.constant 0 : i32
      %dma_wait3A_103 = tpu.memref_slice %arg6[%dma_wait3A_100, %dma_wait3A_101, %dma_wait3A_102] : memref<4x200x64xf32, #tpu.memory_space<vmem>> -> memref<1x96x64xf32, #tpu.memory_space<vmem>>
      %dma_wait3A_104 = tpu.memref_squeeze %dma_wait3A_103 : memref<1x96x64xf32, #tpu.memory_space<vmem>> -> memref<96x64xf32, #tpu.memory_space<vmem>>
      %dma_wait3A_105 = arith.constant 104 : i32
      %dma_wait3A_106 = tpu.memref_slice %arg5[%add3A_84, %dma_wait3A_105] : memref<128x200xi32, #tpu.memory_space<vmem>> -> memref<1x96xi32, #tpu.memory_space<vmem>>
      %dma_wait3A_107 = tpu.memref_squeeze %dma_wait3A_106 : memref<1x96xi32, #tpu.memory_space<vmem>> -> memref<96xi32, #tpu.memory_space<vmem>>
      %dma_wait3A_108 = arith.constant 0 : i32
      %dma_wait3A_109 = arith.constant 0 : i32
      %dma_wait3A_110 = tpu.memref_slice %arg3[%dma_wait3A_108, %dma_wait3A_109] : memref<102400x64xf32, #tpu.memory_space<hbm>> -> memref<102400x64xf32, #tpu.memory_space<hbm>>
      tpu.wait_indirect_dma semaphore(%arg8 : memref<!tpu.dma_semaphore, #tpu.memory_space<semaphore_mem>>) src(%dma_wait3A_110 : memref<102400x64xf32, #tpu.memory_space<hbm>>) dst(%dma_wait3A_104 : memref<96x64xf32, #tpu.memory_space<vmem>>)
      %broadcast_in_dim3A = arith.constant 0.000000e+00 : f32
      %broadcast_in_dim3A_111 = vector.broadcast %broadcast_in_dim3A : f32 to vector<16xf32>
      %scan3A_112 = arith.constant 0 : i32
      %scan3A_113 = arith.constant 25 : i32
      %scan3A_114 = arith.addi %scan3A_112, %scan3A_113 : i32
      %scan3A_115 = arith.constant 1 : i32
      %scan3A_116:4 = scf.for %scan3A_352 = %scan3A_112 to %scan3A_114 step %scan3A_115 iter_args(%scan3A_353 = %broadcast_in_dim3A_111, %scan3A_354 = %broadcast_in_dim3A_111, %scan3A_355 = %broadcast_in_dim3A_111, %scan3A_356 = %broadcast_in_dim3A_111) -> (vector<16xf32>, vector<16xf32>, vector<16xf32>, vector<16xf32>)  : i32 {
        %mul3A_357 = arith.constant 8 : i32
        %mul3A_358 = arith.muli %scan3A_352, %mul3A_357 : i32
        %add3A_359 = arith.constant 0 : i32
        %add3A_360 = arith.addi %mul3A_358, %add3A_359 : i32
        %get3A = arith.constant 0 : i32
        %get3A_361 = arith.index_cast %get3A : i32 to index
        %get3A_362 = arith.index_cast %add3A_360 : i32 to index
        %get3A_363 = arith.constant 0 : index
        %get3A_364 = tpu.vector_load %arg6[%get3A_361, %get3A_362, %get3A_363] {strides = array<i32>} : memref<4x200x64xf32, #tpu.memory_space<vmem>>, vector<1x1x16xf32>,
        %get3A_365 = vector.shape_cast %get3A_364 : vector<1x1x16xf32> to vector<16xf32>
        %add3A_366 = arith.addf %scan3A_353, %get3A_365 : vector<16xf32>
        %get3A_367 = arith.constant 0 : i32
        %get3A_368 = arith.index_cast %get3A_367 : i32 to index
        %get3A_369 = arith.index_cast %add3A_360 : i32 to index
        %get3A_370 = arith.constant 16 : index
        %get3A_371 = tpu.vector_load %arg6[%get3A_368, %get3A_369, %get3A_370] {strides = array<i32>} : memref<4x200x64xf32, #tpu.memory_space<vmem>>, vector<1x1x16xf32>,
        %get3A_372 = vector.shape_cast %get3A_371 : vector<1x1x16xf32> to vector<16xf32>
        %add3A_373 = arith.addf %scan3A_354, %get3A_372 : vector<16xf32>
        %get3A_374 = arith.constant 0 : i32
        %get3A_375 = arith.index_cast %get3A_374 : i32 to index
        %get3A_376 = arith.index_cast %add3A_360 : i32 to index
        %get3A_377 = arith.constant 32 : index
        %get3A_378 = tpu.vector_load %arg6[%get3A_375, %get3A_376, %get3A_377] {strides = array<i32>} : memref<4x200x64xf32, #tpu.memory_space<vmem>>, vector<1x1x16xf32>,
        %get3A_379 = vector.shape_cast %get3A_378 : vector<1x1x16xf32> to vector<16xf32>
        %add3A_380 = arith.addf %scan3A_355, %get3A_379 : vector<16xf32>
        %get3A_381 = arith.constant 0 : i32
        %get3A_382 = arith.index_cast %get3A_381 : i32 to index
        %get3A_383 = arith.index_cast %add3A_360 : i32 to index
        %get3A_384 = arith.constant 48 : index
        %get3A_385 = tpu.vector_load %arg6[%get3A_382, %get3A_383, %get3A_384] {strides = array<i32>} : memref<4x200x64xf32, #tpu.memory_space<vmem>>, vector<1x1x16xf32>,
        %get3A_386 = vector.shape_cast %get3A_385 : vector<1x1x16xf32> to vector<16xf32>
        %add3A_387 = arith.addf %scan3A_356, %get3A_386 : vector<16xf32>
        %mul3A_388 = arith.constant 8 : i32
        %mul3A_389 = arith.muli %scan3A_352, %mul3A_388 : i32
        %add3A_390 = arith.constant 1 : i32
        %add3A_391 = arith.addi %mul3A_389, %add3A_390 : i32
        %get3A_392 = arith.constant 0 : i32
        %get3A_393 = arith.index_cast %get3A_392 : i32 to index
        %get3A_394 = arith.index_cast %add3A_391 : i32 to index
        %get3A_395 = arith.constant 0 : index
        %get3A_396 = tpu.vector_load %arg6[%get3A_393, %get3A_394, %get3A_395] {strides = array<i32>} : memref<4x200x64xf32, #tpu.memory_space<vmem>>, vector<1x1x16xf32>,
        %get3A_397 = vector.shape_cast %get3A_396 : vector<1x1x16xf32> to vector<16xf32>
        %add3A_398 = arith.addf %add3A_366, %get3A_397 : vector<16xf32>
        %get3A_399 = arith.constant 0 : i32
        %get3A_400 = arith.index_cast %get3A_399 : i32 to index
        %get3A_401 = arith.index_cast %add3A_391 : i32 to index
        %get3A_402 = arith.constant 16 : index
        %get3A_403 = tpu.vector_load %arg6[%get3A_400, %get3A_401, %get3A_402] {strides = array<i32>} : memref<4x200x64xf32, #tpu.memory_space<vmem>>, vector<1x1x16xf32>,
        %get3A_404 = vector.shape_cast %get3A_403 : vector<1x1x16xf32> to vector<16xf32>
        %add3A_405 = arith.addf %add3A_373, %get3A_404 : vector<16xf32>
        %get3A_406 = arith.constant 0 : i32
        %get3A_407 = arith.index_cast %get3A_406 : i32 to index
        %get3A_408 = arith.index_cast %add3A_391 : i32 to index
        %get3A_409 = arith.constant 32 : index
        %get3A_410 = tpu.vector_load %arg6[%get3A_407, %get3A_408, %get3A_409] {strides = array<i32>} : memref<4x200x64xf32, #tpu.memory_space<vmem>>, vector<1x1x16xf32>,
        %get3A_411 = vector.shape_cast %get3A_410 : vector<1x1x16xf32> to vector<16xf32>
        %add3A_412 = arith.addf %add3A_380, %get3A_411 : vector<16xf32>
        %get3A_413 = arith.constant 0 : i32
        %get3A_414 = arith.index_cast %get3A_413 : i32 to index
        %get3A_415 = arith.index_cast %add3A_391 : i32 to index
        %get3A_416 = arith.constant 48 : index
        %get3A_417 = tpu.vector_load %arg6[%get3A_414, %get3A_415, %get3A_416] {strides = array<i32>} : memref<4x200x64xf32, #tpu.memory_space<vmem>>, vector<1x1x16xf32>,
        %get3A_418 = vector.shape_cast %get3A_417 : vector<1x1x16xf32> to vector<16xf32>
        %add3A_419 = arith.addf %add3A_387, %get3A_418 : vector<16xf32>
        %mul3A_420 = arith.constant 8 : i32
        %mul3A_421 = arith.muli %scan3A_352, %mul3A_420 : i32
        %add3A_422 = arith.constant 2 : i32
        %add3A_423 = arith.addi %mul3A_421, %add3A_422 : i32
        %get3A_424 = arith.constant 0 : i32
        %get3A_425 = arith.index_cast %get3A_424 : i32 to index
        %get3A_426 = arith.index_cast %add3A_423 : i32 to index
        %get3A_427 = arith.constant 0 : index
        %get3A_428 = tpu.vector_load %arg6[%get3A_425, %get3A_426, %get3A_427] {strides = array<i32>} : memref<4x200x64xf32, #tpu.memory_space<vmem>>, vector<1x1x16xf32>,
        %get3A_429 = vector.shape_cast %get3A_428 : vector<1x1x16xf32> to vector<16xf32>
        %add3A_430 = arith.addf %add3A_398, %get3A_429 : vector<16xf32>
        %get3A_431 = arith.constant 0 : i32
        %get3A_432 = arith.index_cast %get3A_431 : i32 to index
        %get3A_433 = arith.index_cast %add3A_423 : i32 to index
        %get3A_434 = arith.constant 16 : index
        %get3A_435 = tpu.vector_load %arg6[%get3A_432, %get3A_433, %get3A_434] {strides = array<i32>} : memref<4x200x64xf32, #tpu.memory_space<vmem>>, vector<1x1x16xf32>,
        %get3A_436 = vector.shape_cast %get3A_435 : vector<1x1x16xf32> to vector<16xf32>
        %add3A_437 = arith.addf %add3A_405, %get3A_436 : vector<16xf32>
        %get3A_438 = arith.constant 0 : i32
        %get3A_439 = arith.index_cast %get3A_438 : i32 to index
        %get3A_440 = arith.index_cast %add3A_423 : i32 to index
        %get3A_441 = arith.constant 32 : index
        %get3A_442 = tpu.vector_load %arg6[%get3A_439, %get3A_440, %get3A_441] {strides = array<i32>} : memref<4x200x64xf32, #tpu.memory_space<vmem>>, vector<1x1x16xf32>,
        %get3A_443 = vector.shape_cast %get3A_442 : vector<1x1x16xf32> to vector<16xf32>
        %add3A_444 = arith.addf %add3A_412, %get3A_443 : vector<16xf32>
        %get3A_445 = arith.constant 0 : i32
        %get3A_446 = arith.index_cast %get3A_445 : i32 to index
        %get3A_447 = arith.index_cast %add3A_423 : i32 to index
        %get3A_448 = arith.constant 48 : index
        %get3A_449 = tpu.vector_load %arg6[%get3A_446, %get3A_447, %get3A_448] {strides = array<i32>} : memref<4x200x64xf32, #tpu.memory_space<vmem>>, vector<1x1x16xf32>,
        %get3A_450 = vector.shape_cast %get3A_449 : vector<1x1x16xf32> to vector<16xf32>
        %add3A_451 = arith.addf %add3A_419, %get3A_450 : vector<16xf32>
        %mul3A_452 = arith.constant 8 : i32
        %mul3A_453 = arith.muli %scan3A_352, %mul3A_452 : i32
        %add3A_454 = arith.constant 3 : i32
        %add3A_455 = arith.addi %mul3A_453, %add3A_454 : i32
        %get3A_456 = arith.constant 0 : i32
        %get3A_457 = arith.index_cast %get3A_456 : i32 to index
        %get3A_458 = arith.index_cast %add3A_455 : i32 to index
        %get3A_459 = arith.constant 0 : index
        %get3A_460 = tpu.vector_load %arg6[%get3A_457, %get3A_458, %get3A_459] {strides = array<i32>} : memref<4x200x64xf32, #tpu.memory_space<vmem>>, vector<1x1x16xf32>,
        %get3A_461 = vector.shape_cast %get3A_460 : vector<1x1x16xf32> to vector<16xf32>
        %add3A_462 = arith.addf %add3A_430, %get3A_461 : vector<16xf32>
        %get3A_463 = arith.constant 0 : i32
        %get3A_464 = arith.index_cast %get3A_463 : i32 to index
        %get3A_465 = arith.index_cast %add3A_455 : i32 to index
        %get3A_466 = arith.constant 16 : index
        %get3A_467 = tpu.vector_load %arg6[%get3A_464, %get3A_465, %get3A_466] {strides = array<i32>} : memref<4x200x64xf32, #tpu.memory_space<vmem>>, vector<1x1x16xf32>,
        %get3A_468 = vector.shape_cast %get3A_467 : vector<1x1x16xf32> to vector<16xf32>
        %add3A_469 = arith.addf %add3A_437, %get3A_468 : vector<16xf32>
        %get3A_470 = arith.constant 0 : i32
        %get3A_471 = arith.index_cast %get3A_470 : i32 to index
        %get3A_472 = arith.index_cast %add3A_455 : i32 to index
        %get3A_473 = arith.constant 32 : index
        %get3A_474 = tpu.vector_load %arg6[%get3A_471, %get3A_472, %get3A_473] {strides = array<i32>} : memref<4x200x64xf32, #tpu.memory_space<vmem>>, vector<1x1x16xf32>,
        %get3A_475 = vector.shape_cast %get3A_474 : vector<1x1x16xf32> to vector<16xf32>
        %add3A_476 = arith.addf %add3A_444, %get3A_475 : vector<16xf32>
        %get3A_477 = arith.constant 0 : i32
        %get3A_478 = arith.index_cast %get3A_477 : i32 to index
        %get3A_479 = arith.index_cast %add3A_455 : i32 to index
        %get3A_480 = arith.constant 48 : index
        %get3A_481 = tpu.vector_load %arg6[%get3A_478, %get3A_479, %get3A_480] {strides = array<i32>} : memref<4x200x64xf32, #tpu.memory_space<vmem>>, vector<1x1x16xf32>,
        %get3A_482 = vector.shape_cast %get3A_481 : vector<1x1x16xf32> to vector<16xf32>
        %add3A_483 = arith.addf %add3A_451, %get3A_482 : vector<16xf32>
        %mul3A_484 = arith.constant 8 : i32
        %mul3A_485 = arith.muli %scan3A_352, %mul3A_484 : i32
        %add3A_486 = arith.constant 4 : i32
        %add3A_487 = arith.addi %mul3A_485, %add3A_486 : i32
        %get3A_488 = arith.constant 0 : i32
        %get3A_489 = arith.index_cast %get3A_488 : i32 to index
        %get3A_490 = arith.index_cast %add3A_487 : i32 to index
        %get3A_491 = arith.constant 0 : index
        %get3A_492 = tpu.vector_load %arg6[%get3A_489, %get3A_490, %get3A_491] {strides = array<i32>} : memref<4x200x64xf32, #tpu.memory_space<vmem>>, vector<1x1x16xf32>,
        %get3A_493 = vector.shape_cast %get3A_492 : vector<1x1x16xf32> to vector<16xf32>
        %add3A_494 = arith.addf %add3A_462, %get3A_493 : vector<16xf32>
        %get3A_495 = arith.constant 0 : i32
        %get3A_496 = arith.index_cast %get3A_495 : i32 to index
        %get3A_497 = arith.index_cast %add3A_487 : i32 to index
        %get3A_498 = arith.constant 16 : index
        %get3A_499 = tpu.vector_load %arg6[%get3A_496, %get3A_497, %get3A_498] {strides = array<i32>} : memref<4x200x64xf32, #tpu.memory_space<vmem>>, vector<1x1x16xf32>,
        %get3A_500 = vector.shape_cast %get3A_499 : vector<1x1x16xf32> to vector<16xf32>
        %add3A_501 = arith.addf %add3A_469, %get3A_500 : vector<16xf32>
        %get3A_502 = arith.constant 0 : i32
        %get3A_503 = arith.index_cast %get3A_502 : i32 to index
        %get3A_504 = arith.index_cast %add3A_487 : i32 to index
        %get3A_505 = arith.constant 32 : index
        %get3A_506 = tpu.vector_load %arg6[%get3A_503, %get3A_504, %get3A_505] {strides = array<i32>} : memref<4x200x64xf32, #tpu.memory_space<vmem>>, vector<1x1x16xf32>,
        %get3A_507 = vector.shape_cast %get3A_506 : vector<1x1x16xf32> to vector<16xf32>
        %add3A_508 = arith.addf %add3A_476, %get3A_507 : vector<16xf32>
        %get3A_509 = arith.constant 0 : i32
        %get3A_510 = arith.index_cast %get3A_509 : i32 to index
        %get3A_511 = arith.index_cast %add3A_487 : i32 to index
        %get3A_512 = arith.constant 48 : index
        %get3A_513 = tpu.vector_load %arg6[%get3A_510, %get3A_511, %get3A_512] {strides = array<i32>} : memref<4x200x64xf32, #tpu.memory_space<vmem>>, vector<1x1x16xf32>,
        %get3A_514 = vector.shape_cast %get3A_513 : vector<1x1x16xf32> to vector<16xf32>
        %add3A_515 = arith.addf %add3A_483, %get3A_514 : vector<16xf32>
        %mul3A_516 = arith.constant 8 : i32
        %mul3A_517 = arith.muli %scan3A_352, %mul3A_516 : i32
        %add3A_518 = arith.constant 5 : i32
        %add3A_519 = arith.addi %mul3A_517, %add3A_518 : i32
        %get3A_520 = arith.constant 0 : i32
        %get3A_521 = arith.index_cast %get3A_520 : i32 to index
        %get3A_522 = arith.index_cast %add3A_519 : i32 to index
        %get3A_523 = arith.constant 0 : index
        %get3A_524 = tpu.vector_load %arg6[%get3A_521, %get3A_522, %get3A_523] {strides = array<i32>} : memref<4x200x64xf32, #tpu.memory_space<vmem>>, vector<1x1x16xf32>,
        %get3A_525 = vector.shape_cast %get3A_524 : vector<1x1x16xf32> to vector<16xf32>
        %add3A_526 = arith.addf %add3A_494, %get3A_525 : vector<16xf32>
        %get3A_527 = arith.constant 0 : i32
        %get3A_528 = arith.index_cast %get3A_527 : i32 to index
        %get3A_529 = arith.index_cast %add3A_519 : i32 to index
        %get3A_530 = arith.constant 16 : index
        %get3A_531 = tpu.vector_load %arg6[%get3A_528, %get3A_529, %get3A_530] {strides = array<i32>} : memref<4x200x64xf32, #tpu.memory_space<vmem>>, vector<1x1x16xf32>,
        %get3A_532 = vector.shape_cast %get3A_531 : vector<1x1x16xf32> to vector<16xf32>
        %add3A_533 = arith.addf %add3A_501, %get3A_532 : vector<16xf32>
        %get3A_534 = arith.constant 0 : i32
        %get3A_535 = arith.index_cast %get3A_534 : i32 to index
        %get3A_536 = arith.index_cast %add3A_519 : i32 to index
        %get3A_537 = arith.constant 32 : index
        %get3A_538 = tpu.vector_load %arg6[%get3A_535, %get3A_536, %get3A_537] {strides = array<i32>} : memref<4x200x64xf32, #tpu.memory_space<vmem>>, vector<1x1x16xf32>,
        %get3A_539 = vector.shape_cast %get3A_538 : vector<1x1x16xf32> to vector<16xf32>
        %add3A_540 = arith.addf %add3A_508, %get3A_539 : vector<16xf32>
        %get3A_541 = arith.constant 0 : i32
        %get3A_542 = arith.index_cast %get3A_541 : i32 to index
        %get3A_543 = arith.index_cast %add3A_519 : i32 to index
        %get3A_544 = arith.constant 48 : index
        %get3A_545 = tpu.vector_load %arg6[%get3A_542, %get3A_543, %get3A_544] {strides = array<i32>} : memref<4x200x64xf32, #tpu.memory_space<vmem>>, vector<1x1x16xf32>,
        %get3A_546 = vector.shape_cast %get3A_545 : vector<1x1x16xf32> to vector<16xf32>
        %add3A_547 = arith.addf %add3A_515, %get3A_546 : vector<16xf32>
        %mul3A_548 = arith.constant 8 : i32
        %mul3A_549 = arith.muli %scan3A_352, %mul3A_548 : i32
        %add3A_550 = arith.constant 6 : i32
        %add3A_551 = arith.addi %mul3A_549, %add3A_550 : i32
        %get3A_552 = arith.constant 0 : i32
        %get3A_553 = arith.index_cast %get3A_552 : i32 to index
        %get3A_554 = arith.index_cast %add3A_551 : i32 to index
        %get3A_555 = arith.constant 0 : index
        %get3A_556 = tpu.vector_load %arg6[%get3A_553, %get3A_554, %get3A_555] {strides = array<i32>} : memref<4x200x64xf32, #tpu.memory_space<vmem>>, vector<1x1x16xf32>,
        %get3A_557 = vector.shape_cast %get3A_556 : vector<1x1x16xf32> to vector<16xf32>
        %add3A_558 = arith.addf %add3A_526, %get3A_557 : vector<16xf32>
        %get3A_559 = arith.constant 0 : i32
        %get3A_560 = arith.index_cast %get3A_559 : i32 to index
        %get3A_561 = arith.index_cast %add3A_551 : i32 to index
        %get3A_562 = arith.constant 16 : index
        %get3A_563 = tpu.vector_load %arg6[%get3A_560, %get3A_561, %get3A_562] {strides = array<i32>} : memref<4x200x64xf32, #tpu.memory_space<vmem>>, vector<1x1x16xf32>,
        %get3A_564 = vector.shape_cast %get3A_563 : vector<1x1x16xf32> to vector<16xf32>
        %add3A_565 = arith.addf %add3A_533, %get3A_564 : vector<16xf32>
        %get3A_566 = arith.constant 0 : i32
        %get3A_567 = arith.index_cast %get3A_566 : i32 to index
        %get3A_568 = arith.index_cast %add3A_551 : i32 to index
        %get3A_569 = arith.constant 32 : index
        %get3A_570 = tpu.vector_load %arg6[%get3A_567, %get3A_568, %get3A_569] {strides = array<i32>} : memref<4x200x64xf32, #tpu.memory_space<vmem>>, vector<1x1x16xf32>,
        %get3A_571 = vector.shape_cast %get3A_570 : vector<1x1x16xf32> to vector<16xf32>
        %add3A_572 = arith.addf %add3A_540, %get3A_571 : vector<16xf32>
        %get3A_573 = arith.constant 0 : i32
        %get3A_574 = arith.index_cast %get3A_573 : i32 to index
        %get3A_575 = arith.index_cast %add3A_551 : i32 to index
        %get3A_576 = arith.constant 48 : index
        %get3A_577 = tpu.vector_load %arg6[%get3A_574, %get3A_575, %get3A_576] {strides = array<i32>} : memref<4x200x64xf32, #tpu.memory_space<vmem>>, vector<1x1x16xf32>,
        %get3A_578 = vector.shape_cast %get3A_577 : vector<1x1x16xf32> to vector<16xf32>
        %add3A_579 = arith.addf %add3A_547, %get3A_578 : vector<16xf32>
        %mul3A_580 = arith.constant 8 : i32
        %mul3A_581 = arith.muli %scan3A_352, %mul3A_580 : i32
        %add3A_582 = arith.constant 7 : i32
        %add3A_583 = arith.addi %mul3A_581, %add3A_582 : i32
        %get3A_584 = arith.constant 0 : i32
        %get3A_585 = arith.index_cast %get3A_584 : i32 to index
        %get3A_586 = arith.index_cast %add3A_583 : i32 to index
        %get3A_587 = arith.constant 0 : index
        %get3A_588 = tpu.vector_load %arg6[%get3A_585, %get3A_586, %get3A_587] {strides = array<i32>} : memref<4x200x64xf32, #tpu.memory_space<vmem>>, vector<1x1x16xf32>,
        %get3A_589 = vector.shape_cast %get3A_588 : vector<1x1x16xf32> to vector<16xf32>
        %add3A_590 = arith.addf %add3A_558, %get3A_589 : vector<16xf32>
        %get3A_591 = arith.constant 0 : i32
        %get3A_592 = arith.index_cast %get3A_591 : i32 to index
        %get3A_593 = arith.index_cast %add3A_583 : i32 to index
        %get3A_594 = arith.constant 16 : index
        %get3A_595 = tpu.vector_load %arg6[%get3A_592, %get3A_593, %get3A_594] {strides = array<i32>} : memref<4x200x64xf32, #tpu.memory_space<vmem>>, vector<1x1x16xf32>,
        %get3A_596 = vector.shape_cast %get3A_595 : vector<1x1x16xf32> to vector<16xf32>
        %add3A_597 = arith.addf %add3A_565, %get3A_596 : vector<16xf32>
        %get3A_598 = arith.constant 0 : i32
        %get3A_599 = arith.index_cast %get3A_598 : i32 to index
        %get3A_600 = arith.index_cast %add3A_583 : i32 to index
        %get3A_601 = arith.constant 32 : index
        %get3A_602 = tpu.vector_load %arg6[%get3A_599, %get3A_600, %get3A_601] {strides = array<i32>} : memref<4x200x64xf32, #tpu.memory_space<vmem>>, vector<1x1x16xf32>,
        %get3A_603 = vector.shape_cast %get3A_602 : vector<1x1x16xf32> to vector<16xf32>
        %add3A_604 = arith.addf %add3A_572, %get3A_603 : vector<16xf32>
        %get3A_605 = arith.constant 0 : i32
        %get3A_606 = arith.index_cast %get3A_605 : i32 to index
        %get3A_607 = arith.index_cast %add3A_583 : i32 to index
        %get3A_608 = arith.constant 48 : index
        %get3A_609 = tpu.vector_load %arg6[%get3A_606, %get3A_607, %get3A_608] {strides = array<i32>} : memref<4x200x64xf32, #tpu.memory_space<vmem>>, vector<1x1x16xf32>,
        %get3A_610 = vector.shape_cast %get3A_609 : vector<1x1x16xf32> to vector<16xf32>
        %add3A_611 = arith.addf %add3A_579, %get3A_610 : vector<16xf32>
        scf.yield %add3A_590, %add3A_597, %add3A_604, %add3A_611 : vector<16xf32>, vector<16xf32>, vector<16xf32>, vector<16xf32>
      }
      %scan3A_117 = arith.constant 25 : i32
      %mul3A_118 = vector.broadcast %scan3A_74 : f32 to vector<16xf32>
      %mul3A_119 = arith.mulf %scan3A_116#0, %mul3A_118 : vector<16xf32>
      %swap3A = arith.index_cast %add3A_84 : i32 to index
      %swap3A_120 = arith.constant 0 : index
      %swap3A_121 = tpu.vector_load %arg7[%swap3A, %swap3A_120] {strides = array<i32>} : memref<128x64xf32, #tpu.memory_space<vmem>>, vector<1x16xf32>,
      %swap3A_122 = vector.shape_cast %swap3A_121 : vector<1x16xf32> to vector<16xf32>
      %swap3A_123 = vector.shape_cast %mul3A_119 : vector<16xf32> to vector<1x16xf32>
      tpu.vector_store %arg7[%swap3A, %swap3A_120], %swap3A_123 {strides = array<i32>} : memref<128x64xf32, #tpu.memory_space<vmem>>, vector<1x16xf32>,
      %mul3A_124 = vector.broadcast %scan3A_74 : f32 to vector<16xf32>
      %mul3A_125 = arith.mulf %scan3A_116#1, %mul3A_124 : vector<16xf32>
      %swap3A_126 = arith.index_cast %add3A_84 : i32 to index
      %swap3A_127 = arith.constant 16 : index
      %swap3A_128 = tpu.vector_load %arg7[%swap3A_126, %swap3A_127] {strides = array<i32>} : memref<128x64xf32, #tpu.memory_space<vmem>>, vector<1x16xf32>,
      %swap3A_129 = vector.shape_cast %swap3A_128 : vector<1x16xf32> to vector<16xf32>
      %swap3A_130 = vector.shape_cast %mul3A_125 : vector<16xf32> to vector<1x16xf32>
      tpu.vector_store %arg7[%swap3A_126, %swap3A_127], %swap3A_130 {strides = array<i32>} : memref<128x64xf32, #tpu.memory_space<vmem>>, vector<1x16xf32>,
      %mul3A_131 = vector.broadcast %scan3A_74 : f32 to vector<16xf32>
      %mul3A_132 = arith.mulf %scan3A_116#2, %mul3A_131 : vector<16xf32>
      %swap3A_133 = arith.index_cast %add3A_84 : i32 to index
      %swap3A_134 = arith.constant 32 : index
      %swap3A_135 = tpu.vector_load %arg7[%swap3A_133, %swap3A_134] {strides = array<i32>} : memref<128x64xf32, #tpu.memory_space<vmem>>, vector<1x16xf32>,
      %swap3A_136 = vector.shape_cast %swap3A_135 : vector<1x16xf32> to vector<16xf32>
      %swap3A_137 = vector.shape_cast %mul3A_132 : vector<16xf32> to vector<1x16xf32>
      tpu.vector_store %arg7[%swap3A_133, %swap3A_134], %swap3A_137 {strides = array<i32>} : memref<128x64xf32, #tpu.memory_space<vmem>>, vector<1x16xf32>,
      %mul3A_138 = vector.broadcast %scan3A_74 : f32 to vector<16xf32>
      %mul3A_139 = arith.mulf %scan3A_116#3, %mul3A_138 : vector<16xf32>
      %swap3A_140 = arith.index_cast %add3A_84 : i32 to index
      %swap3A_141 = arith.constant 48 : index
      %swap3A_142 = tpu.vector_load %arg7[%swap3A_140, %swap3A_141] {strides = array<i32>} : memref<128x64xf32, #tpu.memory_space<vmem>>, vector<1x16xf32>,
      %swap3A_143 = vector.shape_cast %swap3A_142 : vector<1x16xf32> to vector<16xf32>
      %swap3A_144 = vector.shape_cast %mul3A_139 : vector<16xf32> to vector<1x16xf32>
      tpu.vector_store %arg7[%swap3A_140, %swap3A_141], %swap3A_144 {strides = array<i32>} : memref<128x64xf32, #tpu.memory_space<vmem>>, vector<1x16xf32>,
      %add3A_145 = arith.constant 1 : i32
      %add3A_146 = arith.addi %mul3A_82, %add3A_145 : i32
      %add3A_147 = arith.constant 4 : i32
      %add3A_148 = arith.addi %add3A_146, %add3A_147 : i32
      %sub3A_149 = arith.constant 1 : i32
      %sub3A_150 = arith.subi %add3A_148, %sub3A_149 : i32
      %lt3A_151 = arith.constant 128 : i32
      %lt3A_152 = arith.cmpi slt, %sub3A_150, %lt3A_151 : i32
      %convert_element_type3A_153 = arith.extui %lt3A_152 : i1 to i32
      %cond3A_154 = arith.constant 0 : i32
      %cond3A_155 = arith.cmpi ne, %convert_element_type3A_153, %cond3A_154 : i32
      scf.if %cond3A_155 {
        %dma_start3A_352 = arith.constant 0 : i32
        %dma_start3A_353 = arith.constant 0 : i32
        %dma_start3A_354 = arith.constant 0 : i32
        %dma_start3A_355 = tpu.memref_slice %arg6[%dma_start3A_352, %dma_start3A_353, %dma_start3A_354] : memref<4x200x64xf32, #tpu.memory_space<vmem>> -> memref<1x104x64xf32, #tpu.memory_space<vmem>>
        %dma_start3A_356 = tpu.memref_squeeze %dma_start3A_355 : memref<1x104x64xf32, #tpu.memory_space<vmem>> -> memref<104x64xf32, #tpu.memory_space<vmem>>
        %dma_start3A_357 = arith.constant 0 : i32
        %dma_start3A_358 = tpu.memref_slice %arg5[%sub3A_150, %dma_start3A_357] : memref<128x200xi32, #tpu.memory_space<vmem>> -> memref<1x104xi32, #tpu.memory_space<vmem>>
        %dma_start3A_359 = tpu.memref_squeeze %dma_start3A_358 : memref<1x104xi32, #tpu.memory_space<vmem>> -> memref<104xi32, #tpu.memory_space<vmem>>
        %dma_start3A_360 = arith.constant 0 : i32
        %dma_start3A_361 = arith.constant 0 : i32
        %dma_start3A_362 = tpu.memref_slice %arg3[%dma_start3A_360, %dma_start3A_361] : memref<102400x64xf32, #tpu.memory_space<hbm>> -> memref<102400x64xf32, #tpu.memory_space<hbm>>
        tpu.enqueue_indirect_dma source(%dma_start3A_362 : memref<102400x64xf32, #tpu.memory_space<hbm>>) target(%dma_start3A_356 : memref<104x64xf32, #tpu.memory_space<vmem>>) offsets(%dma_start3A_359 : memref<104xi32, #tpu.memory_space<vmem>>) semaphore(%arg8 : memref<!tpu.dma_semaphore, #tpu.memory_space<semaphore_mem>>)
        %dma_start3A_363 = arith.constant 0 : i32
        %dma_start3A_364 = arith.constant 104 : i32
        %dma_start3A_365 = arith.constant 0 : i32
        %dma_start3A_366 = tpu.memref_slice %arg6[%dma_start3A_363, %dma_start3A_364, %dma_start3A_365] : memref<4x200x64xf32, #tpu.memory_space<vmem>> -> memref<1x96x64xf32, #tpu.memory_space<vmem>>
        %dma_start3A_367 = tpu.memref_squeeze %dma_start3A_366 : memref<1x96x64xf32, #tpu.memory_space<vmem>> -> memref<96x64xf32, #tpu.memory_space<vmem>>
        %dma_start3A_368 = arith.constant 104 : i32
        %dma_start3A_369 = tpu.memref_slice %arg5[%sub3A_150, %dma_start3A_368] : memref<128x200xi32, #tpu.memory_space<vmem>> -> memref<1x96xi32, #tpu.memory_space<vmem>>
        %dma_start3A_370 = tpu.memref_squeeze %dma_start3A_369 : memref<1x96xi32, #tpu.memory_space<vmem>> -> memref<96xi32, #tpu.memory_space<vmem>>
        %dma_start3A_371 = arith.constant 0 : i32
        %dma_start3A_372 = arith.constant 0 : i32
        %dma_start3A_373 = tpu.memref_slice %arg3[%dma_start3A_371, %dma_start3A_372] : memref<102400x64xf32, #tpu.memory_space<hbm>> -> memref<102400x64xf32, #tpu.memory_space<hbm>>
        tpu.enqueue_indirect_dma source(%dma_start3A_373 : memref<102400x64xf32, #tpu.memory_space<hbm>>) target(%dma_start3A_367 : memref<96x64xf32, #tpu.memory_space<vmem>>) offsets(%dma_start3A_370 : memref<96xi32, #tpu.memory_space<vmem>>) semaphore(%arg8 : memref<!tpu.dma_semaphore, #tpu.memory_space<semaphore_mem>>)
      } else {
      }
      %dma_wait3A_156 = arith.constant 1 : i32
      %dma_wait3A_157 = arith.constant 0 : i32
      %dma_wait3A_158 = arith.constant 0 : i32
      %dma_wait3A_159 = tpu.memref_slice %arg6[%dma_wait3A_156, %dma_wait3A_157, %dma_wait3A_158] : memref<4x200x64xf32, #tpu.memory_space<vmem>> -> memref<1x104x64xf32, #tpu.memory_space<vmem>>
      %dma_wait3A_160 = tpu.memref_squeeze %dma_wait3A_159 : memref<1x104x64xf32, #tpu.memory_space<vmem>> -> memref<104x64xf32, #tpu.memory_space<vmem>>
      %dma_wait3A_161 = arith.constant 0 : i32
      %dma_wait3A_162 = tpu.memref_slice %arg5[%add3A_146, %dma_wait3A_161] : memref<128x200xi32, #tpu.memory_space<vmem>> -> memref<1x104xi32, #tpu.memory_space<vmem>>
      %dma_wait3A_163 = tpu.memref_squeeze %dma_wait3A_162 : memref<1x104xi32, #tpu.memory_space<vmem>> -> memref<104xi32, #tpu.memory_space<vmem>>
      %dma_wait3A_164 = arith.constant 0 : i32
      %dma_wait3A_165 = arith.constant 0 : i32
      %dma_wait3A_166 = tpu.memref_slice %arg3[%dma_wait3A_164, %dma_wait3A_165] : memref<102400x64xf32, #tpu.memory_space<hbm>> -> memref<102400x64xf32, #tpu.memory_space<hbm>>
      tpu.wait_indirect_dma semaphore(%arg9 : memref<!tpu.dma_semaphore, #tpu.memory_space<semaphore_mem>>) src(%dma_wait3A_166 : memref<102400x64xf32, #tpu.memory_space<hbm>>) dst(%dma_wait3A_160 : memref<104x64xf32, #tpu.memory_space<vmem>>)
      %dma_wait3A_167 = arith.constant 1 : i32
      %dma_wait3A_168 = arith.constant 104 : i32
      %dma_wait3A_169 = arith.constant 0 : i32
      %dma_wait3A_170 = tpu.memref_slice %arg6[%dma_wait3A_167, %dma_wait3A_168, %dma_wait3A_169] : memref<4x200x64xf32, #tpu.memory_space<vmem>> -> memref<1x96x64xf32, #tpu.memory_space<vmem>>
      %dma_wait3A_171 = tpu.memref_squeeze %dma_wait3A_170 : memref<1x96x64xf32, #tpu.memory_space<vmem>> -> memref<96x64xf32, #tpu.memory_space<vmem>>
      %dma_wait3A_172 = arith.constant 104 : i32
      %dma_wait3A_173 = tpu.memref_slice %arg5[%add3A_146, %dma_wait3A_172] : memref<128x200xi32, #tpu.memory_space<vmem>> -> memref<1x96xi32, #tpu.memory_space<vmem>>
      %dma_wait3A_174 = tpu.memref_squeeze %dma_wait3A_173 : memref<1x96xi32, #tpu.memory_space<vmem>> -> memref<96xi32, #tpu.memory_space<vmem>>
      %dma_wait3A_175 = arith.constant 0 : i32
      %dma_wait3A_176 = arith.constant 0 : i32
      %dma_wait3A_177 = tpu.memref_slice %arg3[%dma_wait3A_175, %dma_wait3A_176] : memref<102400x64xf32, #tpu.memory_space<hbm>> -> memref<102400x64xf32, #tpu.memory_space<hbm>>
      tpu.wait_indirect_dma semaphore(%arg9 : memref<!tpu.dma_semaphore, #tpu.memory_space<semaphore_mem>>) src(%dma_wait3A_177 : memref<102400x64xf32, #tpu.memory_space<hbm>>) dst(%dma_wait3A_171 : memref<96x64xf32, #tpu.memory_space<vmem>>)
      %broadcast_in_dim3A_178 = arith.constant 0.000000e+00 : f32
      %broadcast_in_dim3A_179 = vector.broadcast %broadcast_in_dim3A_178 : f32 to vector<16xf32>
      %scan3A_180 = arith.constant 0 : i32
      %scan3A_181 = arith.constant 25 : i32
      %scan3A_182 = arith.addi %scan3A_180, %scan3A_181 : i32
      %scan3A_183 = arith.constant 1 : i32
      %scan3A_184:4 = scf.for %scan3A_352 = %scan3A_180 to %scan3A_182 step %scan3A_183 iter_args(%scan3A_353 = %broadcast_in_dim3A_179, %scan3A_354 = %broadcast_in_dim3A_179, %scan3A_355 = %broadcast_in_dim3A_179, %scan3A_356 = %broadcast_in_dim3A_179) -> (vector<16xf32>, vector<16xf32>, vector<16xf32>, vector<16xf32>)  : i32 {
        %mul3A_357 = arith.constant 8 : i32
        %mul3A_358 = arith.muli %scan3A_352, %mul3A_357 : i32
        %add3A_359 = arith.constant 0 : i32
        %add3A_360 = arith.addi %mul3A_358, %add3A_359 : i32
        %get3A = arith.constant 1 : i32
        %get3A_361 = arith.index_cast %get3A : i32 to index
        %get3A_362 = arith.index_cast %add3A_360 : i32 to index
        %get3A_363 = arith.constant 0 : index
        %get3A_364 = tpu.vector_load %arg6[%get3A_361, %get3A_362, %get3A_363] {strides = array<i32>} : memref<4x200x64xf32, #tpu.memory_space<vmem>>, vector<1x1x16xf32>,
        %get3A_365 = vector.shape_cast %get3A_364 : vector<1x1x16xf32> to vector<16xf32>
        %add3A_366 = arith.addf %scan3A_353, %get3A_365 : vector<16xf32>
        %get3A_367 = arith.constant 1 : i32
        %get3A_368 = arith.index_cast %get3A_367 : i32 to index
        %get3A_369 = arith.index_cast %add3A_360 : i32 to index
        %get3A_370 = arith.constant 16 : index
        %get3A_371 = tpu.vector_load %arg6[%get3A_368, %get3A_369, %get3A_370] {strides = array<i32>} : memref<4x200x64xf32, #tpu.memory_space<vmem>>, vector<1x1x16xf32>,
        %get3A_372 = vector.shape_cast %get3A_371 : vector<1x1x16xf32> to vector<16xf32>
        %add3A_373 = arith.addf %scan3A_354, %get3A_372 : vector<16xf32>
        %get3A_374 = arith.constant 1 : i32
        %get3A_375 = arith.index_cast %get3A_374 : i32 to index
        %get3A_376 = arith.index_cast %add3A_360 : i32 to index
        %get3A_377 = arith.constant 32 : index
        %get3A_378 = tpu.vector_load %arg6[%get3A_375, %get3A_376, %get3A_377] {strides = array<i32>} : memref<4x200x64xf32, #tpu.memory_space<vmem>>, vector<1x1x16xf32>,
        %get3A_379 = vector.shape_cast %get3A_378 : vector<1x1x16xf32> to vector<16xf32>
        %add3A_380 = arith.addf %scan3A_355, %get3A_379 : vector<16xf32>
        %get3A_381 = arith.constant 1 : i32
        %get3A_382 = arith.index_cast %get3A_381 : i32 to index
        %get3A_383 = arith.index_cast %add3A_360 : i32 to index
        %get3A_384 = arith.constant 48 : index
        %get3A_385 = tpu.vector_load %arg6[%get3A_382, %get3A_383, %get3A_384] {strides = array<i32>} : memref<4x200x64xf32, #tpu.memory_space<vmem>>, vector<1x1x16xf32>,
        %get3A_386 = vector.shape_cast %get3A_385 : vector<1x1x16xf32> to vector<16xf32>
        %add3A_387 = arith.addf %scan3A_356, %get3A_386 : vector<16xf32>
        %mul3A_388 = arith.constant 8 : i32
        %mul3A_389 = arith.muli %scan3A_352, %mul3A_388 : i32
        %add3A_390 = arith.constant 1 : i32
        %add3A_391 = arith.addi %mul3A_389, %add3A_390 : i32
        %get3A_392 = arith.constant 1 : i32
        %get3A_393 = arith.index_cast %get3A_392 : i32 to index
        %get3A_394 = arith.index_cast %add3A_391 : i32 to index
        %get3A_395 = arith.constant 0 : index
        %get3A_396 = tpu.vector_load %arg6[%get3A_393, %get3A_394, %get3A_395] {strides = array<i32>} : memref<4x200x64xf32, #tpu.memory_space<vmem>>, vector<1x1x16xf32>,
        %get3A_397 = vector.shape_cast %get3A_396 : vector<1x1x16xf32> to vector<16xf32>
        %add3A_398 = arith.addf %add3A_366, %get3A_397 : vector<16xf32>
        %get3A_399 = arith.constant 1 : i32
        %get3A_400 = arith.index_cast %get3A_399 : i32 to index
        %get3A_401 = arith.index_cast %add3A_391 : i32 to index
        %get3A_402 = arith.constant 16 : index
        %get3A_403 = tpu.vector_load %arg6[%get3A_400, %get3A_401, %get3A_402] {strides = array<i32>} : memref<4x200x64xf32, #tpu.memory_space<vmem>>, vector<1x1x16xf32>,
        %get3A_404 = vector.shape_cast %get3A_403 : vector<1x1x16xf32> to vector<16xf32>
        %add3A_405 = arith.addf %add3A_373, %get3A_404 : vector<16xf32>
        %get3A_406 = arith.constant 1 : i32
        %get3A_407 = arith.index_cast %get3A_406 : i32 to index
        %get3A_408 = arith.index_cast %add3A_391 : i32 to index
        %get3A_409 = arith.constant 32 : index
        %get3A_410 = tpu.vector_load %arg6[%get3A_407, %get3A_408, %get3A_409] {strides = array<i32>} : memref<4x200x64xf32, #tpu.memory_space<vmem>>, vector<1x1x16xf32>,
        %get3A_411 = vector.shape_cast %get3A_410 : vector<1x1x16xf32> to vector<16xf32>
        %add3A_412 = arith.addf %add3A_380, %get3A_411 : vector<16xf32>
        %get3A_413 = arith.constant 1 : i32
        %get3A_414 = arith.index_cast %get3A_413 : i32 to index
        %get3A_415 = arith.index_cast %add3A_391 : i32 to index
        %get3A_416 = arith.constant 48 : index
        %get3A_417 = tpu.vector_load %arg6[%get3A_414, %get3A_415, %get3A_416] {strides = array<i32>} : memref<4x200x64xf32, #tpu.memory_space<vmem>>, vector<1x1x16xf32>,
        %get3A_418 = vector.shape_cast %get3A_417 : vector<1x1x16xf32> to vector<16xf32>
        %add3A_419 = arith.addf %add3A_387, %get3A_418 : vector<16xf32>
        %mul3A_420 = arith.constant 8 : i32
        %mul3A_421 = arith.muli %scan3A_352, %mul3A_420 : i32
        %add3A_422 = arith.constant 2 : i32
        %add3A_423 = arith.addi %mul3A_421, %add3A_422 : i32
        %get3A_424 = arith.constant 1 : i32
        %get3A_425 = arith.index_cast %get3A_424 : i32 to index
        %get3A_426 = arith.index_cast %add3A_423 : i32 to index
        %get3A_427 = arith.constant 0 : index
        %get3A_428 = tpu.vector_load %arg6[%get3A_425, %get3A_426, %get3A_427] {strides = array<i32>} : memref<4x200x64xf32, #tpu.memory_space<vmem>>, vector<1x1x16xf32>,
        %get3A_429 = vector.shape_cast %get3A_428 : vector<1x1x16xf32> to vector<16xf32>
        %add3A_430 = arith.addf %add3A_398, %get3A_429 : vector<16xf32>
        %get3A_431 = arith.constant 1 : i32
        %get3A_432 = arith.index_cast %get3A_431 : i32 to index
        %get3A_433 = arith.index_cast %add3A_423 : i32 to index
        %get3A_434 = arith.constant 16 : index
        %get3A_435 = tpu.vector_load %arg6[%get3A_432, %get3A_433, %get3A_434] {strides = array<i32>} : memref<4x200x64xf32, #tpu.memory_space<vmem>>, vector<1x1x16xf32>,
        %get3A_436 = vector.shape_cast %get3A_435 : vector<1x1x16xf32> to vector<16xf32>
        %add3A_437 = arith.addf %add3A_405, %get3A_436 : vector<16xf32>
        %get3A_438 = arith.constant 1 : i32
        %get3A_439 = arith.index_cast %get3A_438 : i32 to index
        %get3A_440 = arith.index_cast %add3A_423 : i32 to index
        %get3A_441 = arith.constant 32 : index
        %get3A_442 = tpu.vector_load %arg6[%get3A_439, %get3A_440, %get3A_441] {strides = array<i32>} : memref<4x200x64xf32, #tpu.memory_space<vmem>>, vector<1x1x16xf32>,
        %get3A_443 = vector.shape_cast %get3A_442 : vector<1x1x16xf32> to vector<16xf32>
        %add3A_444 = arith.addf %add3A_412, %get3A_443 : vector<16xf32>
        %get3A_445 = arith.constant 1 : i32
        %get3A_446 = arith.index_cast %get3A_445 : i32 to index
        %get3A_447 = arith.index_cast %add3A_423 : i32 to index
        %get3A_448 = arith.constant 48 : index
        %get3A_449 = tpu.vector_load %arg6[%get3A_446, %get3A_447, %get3A_448] {strides = array<i32>} : memref<4x200x64xf32, #tpu.memory_space<vmem>>, vector<1x1x16xf32>,
        %get3A_450 = vector.shape_cast %get3A_449 : vector<1x1x16xf32> to vector<16xf32>
        %add3A_451 = arith.addf %add3A_419, %get3A_450 : vector<16xf32>
        %mul3A_452 = arith.constant 8 : i32
        %mul3A_453 = arith.muli %scan3A_352, %mul3A_452 : i32
        %add3A_454 = arith.constant 3 : i32
        %add3A_455 = arith.addi %mul3A_453, %add3A_454 : i32
        %get3A_456 = arith.constant 1 : i32
        %get3A_457 = arith.index_cast %get3A_456 : i32 to index
        %get3A_458 = arith.index_cast %add3A_455 : i32 to index
        %get3A_459 = arith.constant 0 : index
        %get3A_460 = tpu.vector_load %arg6[%get3A_457, %get3A_458, %get3A_459] {strides = array<i32>} : memref<4x200x64xf32, #tpu.memory_space<vmem>>, vector<1x1x16xf32>,
        %get3A_461 = vector.shape_cast %get3A_460 : vector<1x1x16xf32> to vector<16xf32>
        %add3A_462 = arith.addf %add3A_430, %get3A_461 : vector<16xf32>
        %get3A_463 = arith.constant 1 : i32
        %get3A_464 = arith.index_cast %get3A_463 : i32 to index
        %get3A_465 = arith.index_cast %add3A_455 : i32 to index
        %get3A_466 = arith.constant 16 : index
        %get3A_467 = tpu.vector_load %arg6[%get3A_464, %get3A_465, %get3A_466] {strides = array<i32>} : memref<4x200x64xf32, #tpu.memory_space<vmem>>, vector<1x1x16xf32>,
        %get3A_468 = vector.shape_cast %get3A_467 : vector<1x1x16xf32> to vector<16xf32>
        %add3A_469 = arith.addf %add3A_437, %get3A_468 : vector<16xf32>
        %get3A_470 = arith.constant 1 : i32
        %get3A_471 = arith.index_cast %get3A_470 : i32 to index
        %get3A_472 = arith.index_cast %add3A_455 : i32 to index
        %get3A_473 = arith.constant 32 : index
        %get3A_474 = tpu.vector_load %arg6[%get3A_471, %get3A_472, %get3A_473] {strides = array<i32>} : memref<4x200x64xf32, #tpu.memory_space<vmem>>, vector<1x1x16xf32>,
        %get3A_475 = vector.shape_cast %get3A_474 : vector<1x1x16xf32> to vector<16xf32>
        %add3A_476 = arith.addf %add3A_444, %get3A_475 : vector<16xf32>
        %get3A_477 = arith.constant 1 : i32
        %get3A_478 = arith.index_cast %get3A_477 : i32 to index
        %get3A_479 = arith.index_cast %add3A_455 : i32 to index
        %get3A_480 = arith.constant 48 : index
        %get3A_481 = tpu.vector_load %arg6[%get3A_478, %get3A_479, %get3A_480] {strides = array<i32>} : memref<4x200x64xf32, #tpu.memory_space<vmem>>, vector<1x1x16xf32>,
        %get3A_482 = vector.shape_cast %get3A_481 : vector<1x1x16xf32> to vector<16xf32>
        %add3A_483 = arith.addf %add3A_451, %get3A_482 : vector<16xf32>
        %mul3A_484 = arith.constant 8 : i32
        %mul3A_485 = arith.muli %scan3A_352, %mul3A_484 : i32
        %add3A_486 = arith.constant 4 : i32
        %add3A_487 = arith.addi %mul3A_485, %add3A_486 : i32
        %get3A_488 = arith.constant 1 : i32
        %get3A_489 = arith.index_cast %get3A_488 : i32 to index
        %get3A_490 = arith.index_cast %add3A_487 : i32 to index
        %get3A_491 = arith.constant 0 : index
        %get3A_492 = tpu.vector_load %arg6[%get3A_489, %get3A_490, %get3A_491] {strides = array<i32>} : memref<4x200x64xf32, #tpu.memory_space<vmem>>, vector<1x1x16xf32>,
        %get3A_493 = vector.shape_cast %get3A_492 : vector<1x1x16xf32> to vector<16xf32>
        %add3A_494 = arith.addf %add3A_462, %get3A_493 : vector<16xf32>
        %get3A_495 = arith.constant 1 : i32
        %get3A_496 = arith.index_cast %get3A_495 : i32 to index
        %get3A_497 = arith.index_cast %add3A_487 : i32 to index
        %get3A_498 = arith.constant 16 : index
        %get3A_499 = tpu.vector_load %arg6[%get3A_496, %get3A_497, %get3A_498] {strides = array<i32>} : memref<4x200x64xf32, #tpu.memory_space<vmem>>, vector<1x1x16xf32>,
        %get3A_500 = vector.shape_cast %get3A_499 : vector<1x1x16xf32> to vector<16xf32>
        %add3A_501 = arith.addf %add3A_469, %get3A_500 : vector<16xf32>
        %get3A_502 = arith.constant 1 : i32
        %get3A_503 = arith.index_cast %get3A_502 : i32 to index
        %get3A_504 = arith.index_cast %add3A_487 : i32 to index
        %get3A_505 = arith.constant 32 : index
        %get3A_506 = tpu.vector_load %arg6[%get3A_503, %get3A_504, %get3A_505] {strides = array<i32>} : memref<4x200x64xf32, #tpu.memory_space<vmem>>, vector<1x1x16xf32>,
        %get3A_507 = vector.shape_cast %get3A_506 : vector<1x1x16xf32> to vector<16xf32>
        %add3A_508 = arith.addf %add3A_476, %get3A_507 : vector<16xf32>
        %get3A_509 = arith.constant 1 : i32
        %get3A_510 = arith.index_cast %get3A_509 : i32 to index
        %get3A_511 = arith.index_cast %add3A_487 : i32 to index
        %get3A_512 = arith.constant 48 : index
        %get3A_513 = tpu.vector_load %arg6[%get3A_510, %get3A_511, %get3A_512] {strides = array<i32>} : memref<4x200x64xf32, #tpu.memory_space<vmem>>, vector<1x1x16xf32>,
        %get3A_514 = vector.shape_cast %get3A_513 : vector<1x1x16xf32> to vector<16xf32>
        %add3A_515 = arith.addf %add3A_483, %get3A_514 : vector<16xf32>
        %mul3A_516 = arith.constant 8 : i32
        %mul3A_517 = arith.muli %scan3A_352, %mul3A_516 : i32
        %add3A_518 = arith.constant 5 : i32
        %add3A_519 = arith.addi %mul3A_517, %add3A_518 : i32
        %get3A_520 = arith.constant 1 : i32
        %get3A_521 = arith.index_cast %get3A_520 : i32 to index
        %get3A_522 = arith.index_cast %add3A_519 : i32 to index
        %get3A_523 = arith.constant 0 : index
        %get3A_524 = tpu.vector_load %arg6[%get3A_521, %get3A_522, %get3A_523] {strides = array<i32>} : memref<4x200x64xf32, #tpu.memory_space<vmem>>, vector<1x1x16xf32>,
        %get3A_525 = vector.shape_cast %get3A_524 : vector<1x1x16xf32> to vector<16xf32>
        %add3A_526 = arith.addf %add3A_494, %get3A_525 : vector<16xf32>
        %get3A_527 = arith.constant 1 : i32
        %get3A_528 = arith.index_cast %get3A_527 : i32 to index
        %get3A_529 = arith.index_cast %add3A_519 : i32 to index
        %get3A_530 = arith.constant 16 : index
        %get3A_531 = tpu.vector_load %arg6[%get3A_528, %get3A_529, %get3A_530] {strides = array<i32>} : memref<4x200x64xf32, #tpu.memory_space<vmem>>, vector<1x1x16xf32>,
        %get3A_532 = vector.shape_cast %get3A_531 : vector<1x1x16xf32> to vector<16xf32>
        %add3A_533 = arith.addf %add3A_501, %get3A_532 : vector<16xf32>
        %get3A_534 = arith.constant 1 : i32
        %get3A_535 = arith.index_cast %get3A_534 : i32 to index
        %get3A_536 = arith.index_cast %add3A_519 : i32 to index
        %get3A_537 = arith.constant 32 : index
        %get3A_538 = tpu.vector_load %arg6[%get3A_535, %get3A_536, %get3A_537] {strides = array<i32>} : memref<4x200x64xf32, #tpu.memory_space<vmem>>, vector<1x1x16xf32>,
        %get3A_539 = vector.shape_cast %get3A_538 : vector<1x1x16xf32> to vector<16xf32>
        %add3A_540 = arith.addf %add3A_508, %get3A_539 : vector<16xf32>
        %get3A_541 = arith.constant 1 : i32
        %get3A_542 = arith.index_cast %get3A_541 : i32 to index
        %get3A_543 = arith.index_cast %add3A_519 : i32 to index
        %get3A_544 = arith.constant 48 : index
        %get3A_545 = tpu.vector_load %arg6[%get3A_542, %get3A_543, %get3A_544] {strides = array<i32>} : memref<4x200x64xf32, #tpu.memory_space<vmem>>, vector<1x1x16xf32>,
        %get3A_546 = vector.shape_cast %get3A_545 : vector<1x1x16xf32> to vector<16xf32>
        %add3A_547 = arith.addf %add3A_515, %get3A_546 : vector<16xf32>
        %mul3A_548 = arith.constant 8 : i32
        %mul3A_549 = arith.muli %scan3A_352, %mul3A_548 : i32
        %add3A_550 = arith.constant 6 : i32
        %add3A_551 = arith.addi %mul3A_549, %add3A_550 : i32
        %get3A_552 = arith.constant 1 : i32
        %get3A_553 = arith.index_cast %get3A_552 : i32 to index
        %get3A_554 = arith.index_cast %add3A_551 : i32 to index
        %get3A_555 = arith.constant 0 : index
        %get3A_556 = tpu.vector_load %arg6[%get3A_553, %get3A_554, %get3A_555] {strides = array<i32>} : memref<4x200x64xf32, #tpu.memory_space<vmem>>, vector<1x1x16xf32>,
        %get3A_557 = vector.shape_cast %get3A_556 : vector<1x1x16xf32> to vector<16xf32>
        %add3A_558 = arith.addf %add3A_526, %get3A_557 : vector<16xf32>
        %get3A_559 = arith.constant 1 : i32
        %get3A_560 = arith.index_cast %get3A_559 : i32 to index
        %get3A_561 = arith.index_cast %add3A_551 : i32 to index
        %get3A_562 = arith.constant 16 : index
        %get3A_563 = tpu.vector_load %arg6[%get3A_560, %get3A_561, %get3A_562] {strides = array<i32>} : memref<4x200x64xf32, #tpu.memory_space<vmem>>, vector<1x1x16xf32>,
        %get3A_564 = vector.shape_cast %get3A_563 : vector<1x1x16xf32> to vector<16xf32>
        %add3A_565 = arith.addf %add3A_533, %get3A_564 : vector<16xf32>
        %get3A_566 = arith.constant 1 : i32
        %get3A_567 = arith.index_cast %get3A_566 : i32 to index
        %get3A_568 = arith.index_cast %add3A_551 : i32 to index
        %get3A_569 = arith.constant 32 : index
        %get3A_570 = tpu.vector_load %arg6[%get3A_567, %get3A_568, %get3A_569] {strides = array<i32>} : memref<4x200x64xf32, #tpu.memory_space<vmem>>, vector<1x1x16xf32>,
        %get3A_571 = vector.shape_cast %get3A_570 : vector<1x1x16xf32> to vector<16xf32>
        %add3A_572 = arith.addf %add3A_540, %get3A_571 : vector<16xf32>
        %get3A_573 = arith.constant 1 : i32
        %get3A_574 = arith.index_cast %get3A_573 : i32 to index
        %get3A_575 = arith.index_cast %add3A_551 : i32 to index
        %get3A_576 = arith.constant 48 : index
        %get3A_577 = tpu.vector_load %arg6[%get3A_574, %get3A_575, %get3A_576] {strides = array<i32>} : memref<4x200x64xf32, #tpu.memory_space<vmem>>, vector<1x1x16xf32>,
        %get3A_578 = vector.shape_cast %get3A_577 : vector<1x1x16xf32> to vector<16xf32>
        %add3A_579 = arith.addf %add3A_547, %get3A_578 : vector<16xf32>
        %mul3A_580 = arith.constant 8 : i32
        %mul3A_581 = arith.muli %scan3A_352, %mul3A_580 : i32
        %add3A_582 = arith.constant 7 : i32
        %add3A_583 = arith.addi %mul3A_581, %add3A_582 : i32
        %get3A_584 = arith.constant 1 : i32
        %get3A_585 = arith.index_cast %get3A_584 : i32 to index
        %get3A_586 = arith.index_cast %add3A_583 : i32 to index
        %get3A_587 = arith.constant 0 : index
        %get3A_588 = tpu.vector_load %arg6[%get3A_585, %get3A_586, %get3A_587] {strides = array<i32>} : memref<4x200x64xf32, #tpu.memory_space<vmem>>, vector<1x1x16xf32>,
        %get3A_589 = vector.shape_cast %get3A_588 : vector<1x1x16xf32> to vector<16xf32>
        %add3A_590 = arith.addf %add3A_558, %get3A_589 : vector<16xf32>
        %get3A_591 = arith.constant 1 : i32
        %get3A_592 = arith.index_cast %get3A_591 : i32 to index
        %get3A_593 = arith.index_cast %add3A_583 : i32 to index
        %get3A_594 = arith.constant 16 : index
        %get3A_595 = tpu.vector_load %arg6[%get3A_592, %get3A_593, %get3A_594] {strides = array<i32>} : memref<4x200x64xf32, #tpu.memory_space<vmem>>, vector<1x1x16xf32>,
        %get3A_596 = vector.shape_cast %get3A_595 : vector<1x1x16xf32> to vector<16xf32>
        %add3A_597 = arith.addf %add3A_565, %get3A_596 : vector<16xf32>
        %get3A_598 = arith.constant 1 : i32
        %get3A_599 = arith.index_cast %get3A_598 : i32 to index
        %get3A_600 = arith.index_cast %add3A_583 : i32 to index
        %get3A_601 = arith.constant 32 : index
        %get3A_602 = tpu.vector_load %arg6[%get3A_599, %get3A_600, %get3A_601] {strides = array<i32>} : memref<4x200x64xf32, #tpu.memory_space<vmem>>, vector<1x1x16xf32>,
        %get3A_603 = vector.shape_cast %get3A_602 : vector<1x1x16xf32> to vector<16xf32>
        %add3A_604 = arith.addf %add3A_572, %get3A_603 : vector<16xf32>
        %get3A_605 = arith.constant 1 : i32
        %get3A_606 = arith.index_cast %get3A_605 : i32 to index
        %get3A_607 = arith.index_cast %add3A_583 : i32 to index
        %get3A_608 = arith.constant 48 : index
        %get3A_609 = tpu.vector_load %arg6[%get3A_606, %get3A_607, %get3A_608] {strides = array<i32>} : memref<4x200x64xf32, #tpu.memory_space<vmem>>, vector<1x1x16xf32>,
        %get3A_610 = vector.shape_cast %get3A_609 : vector<1x1x16xf32> to vector<16xf32>
        %add3A_611 = arith.addf %add3A_579, %get3A_610 : vector<16xf32>
        scf.yield %add3A_590, %add3A_597, %add3A_604, %add3A_611 : vector<16xf32>, vector<16xf32>, vector<16xf32>, vector<16xf32>
      }
      %scan3A_185 = arith.constant 25 : i32
      %mul3A_186 = vector.broadcast %scan3A_74 : f32 to vector<16xf32>
      %mul3A_187 = arith.mulf %scan3A_184#0, %mul3A_186 : vector<16xf32>
      %swap3A_188 = arith.index_cast %add3A_146 : i32 to index
      %swap3A_189 = arith.constant 0 : index
      %swap3A_190 = tpu.vector_load %arg7[%swap3A_188, %swap3A_189] {strides = array<i32>} : memref<128x64xf32, #tpu.memory_space<vmem>>, vector<1x16xf32>,
      %swap3A_191 = vector.shape_cast %swap3A_190 : vector<1x16xf32> to vector<16xf32>
      %swap3A_192 = vector.shape_cast %mul3A_187 : vector<16xf32> to vector<1x16xf32>
      tpu.vector_store %arg7[%swap3A_188, %swap3A_189], %swap3A_192 {strides = array<i32>} : memref<128x64xf32, #tpu.memory_space<vmem>>, vector<1x16xf32>,
      %mul3A_193 = vector.broadcast %scan3A_74 : f32 to vector<16xf32>
      %mul3A_194 = arith.mulf %scan3A_184#1, %mul3A_193 : vector<16xf32>
      %swap3A_195 = arith.index_cast %add3A_146 : i32 to index
      %swap3A_196 = arith.constant 16 : index
      %swap3A_197 = tpu.vector_load %arg7[%swap3A_195, %swap3A_196] {strides = array<i32>} : memref<128x64xf32, #tpu.memory_space<vmem>>, vector<1x16xf32>,
      %swap3A_198 = vector.shape_cast %swap3A_197 : vector<1x16xf32> to vector<16xf32>
      %swap3A_199 = vector.shape_cast %mul3A_194 : vector<16xf32> to vector<1x16xf32>
      tpu.vector_store %arg7[%swap3A_195, %swap3A_196], %swap3A_199 {strides = array<i32>} : memref<128x64xf32, #tpu.memory_space<vmem>>, vector<1x16xf32>,
      %mul3A_200 = vector.broadcast %scan3A_74 : f32 to vector<16xf32>
      %mul3A_201 = arith.mulf %scan3A_184#2, %mul3A_200 : vector<16xf32>
      %swap3A_202 = arith.index_cast %add3A_146 : i32 to index
      %swap3A_203 = arith.constant 32 : index
      %swap3A_204 = tpu.vector_load %arg7[%swap3A_202, %swap3A_203] {strides = array<i32>} : memref<128x64xf32, #tpu.memory_space<vmem>>, vector<1x16xf32>,
      %swap3A_205 = vector.shape_cast %swap3A_204 : vector<1x16xf32> to vector<16xf32>
      %swap3A_206 = vector.shape_cast %mul3A_201 : vector<16xf32> to vector<1x16xf32>
      tpu.vector_store %arg7[%swap3A_202, %swap3A_203], %swap3A_206 {strides = array<i32>} : memref<128x64xf32, #tpu.memory_space<vmem>>, vector<1x16xf32>,
      %mul3A_207 = vector.broadcast %scan3A_74 : f32 to vector<16xf32>
      %mul3A_208 = arith.mulf %scan3A_184#3, %mul3A_207 : vector<16xf32>
      %swap3A_209 = arith.index_cast %add3A_146 : i32 to index
      %swap3A_210 = arith.constant 48 : index
      %swap3A_211 = tpu.vector_load %arg7[%swap3A_209, %swap3A_210] {strides = array<i32>} : memref<128x64xf32, #tpu.memory_space<vmem>>, vector<1x16xf32>,
      %swap3A_212 = vector.shape_cast %swap3A_211 : vector<1x16xf32> to vector<16xf32>
      %swap3A_213 = vector.shape_cast %mul3A_208 : vector<16xf32> to vector<1x16xf32>
      tpu.vector_store %arg7[%swap3A_209, %swap3A_210], %swap3A_213 {strides = array<i32>} : memref<128x64xf32, #tpu.memory_space<vmem>>, vector<1x16xf32>,
      %add3A_214 = arith.constant 2 : i32
      %add3A_215 = arith.addi %mul3A_82, %add3A_214 : i32
      %add3A_216 = arith.constant 4 : i32
      %add3A_217 = arith.addi %add3A_215, %add3A_216 : i32
      %sub3A_218 = arith.constant 1 : i32
      %sub3A_219 = arith.subi %add3A_217, %sub3A_218 : i32
      %lt3A_220 = arith.constant 128 : i32
      %lt3A_221 = arith.cmpi slt, %sub3A_219, %lt3A_220 : i32
      %convert_element_type3A_222 = arith.extui %lt3A_221 : i1 to i32
      %cond3A_223 = arith.constant 0 : i32
      %cond3A_224 = arith.cmpi ne, %convert_element_type3A_222, %cond3A_223 : i32
      scf.if %cond3A_224 {
        %dma_start3A_352 = arith.constant 1 : i32
        %dma_start3A_353 = arith.constant 0 : i32
        %dma_start3A_354 = arith.constant 0 : i32
        %dma_start3A_355 = tpu.memref_slice %arg6[%dma_start3A_352, %dma_start3A_353, %dma_start3A_354] : memref<4x200x64xf32, #tpu.memory_space<vmem>> -> memref<1x104x64xf32, #tpu.memory_space<vmem>>
        %dma_start3A_356 = tpu.memref_squeeze %dma_start3A_355 : memref<1x104x64xf32, #tpu.memory_space<vmem>> -> memref<104x64xf32, #tpu.memory_space<vmem>>
        %dma_start3A_357 = arith.constant 0 : i32
        %dma_start3A_358 = tpu.memref_slice %arg5[%sub3A_219, %dma_start3A_357] : memref<128x200xi32, #tpu.memory_space<vmem>> -> memref<1x104xi32, #tpu.memory_space<vmem>>
        %dma_start3A_359 = tpu.memref_squeeze %dma_start3A_358 : memref<1x104xi32, #tpu.memory_space<vmem>> -> memref<104xi32, #tpu.memory_space<vmem>>
        %dma_start3A_360 = arith.constant 0 : i32
        %dma_start3A_361 = arith.constant 0 : i32
        %dma_start3A_362 = tpu.memref_slice %arg3[%dma_start3A_360, %dma_start3A_361] : memref<102400x64xf32, #tpu.memory_space<hbm>> -> memref<102400x64xf32, #tpu.memory_space<hbm>>
        tpu.enqueue_indirect_dma source(%dma_start3A_362 : memref<102400x64xf32, #tpu.memory_space<hbm>>) target(%dma_start3A_356 : memref<104x64xf32, #tpu.memory_space<vmem>>) offsets(%dma_start3A_359 : memref<104xi32, #tpu.memory_space<vmem>>) semaphore(%arg9 : memref<!tpu.dma_semaphore, #tpu.memory_space<semaphore_mem>>)
        %dma_start3A_363 = arith.constant 1 : i32
        %dma_start3A_364 = arith.constant 104 : i32
        %dma_start3A_365 = arith.constant 0 : i32
        %dma_start3A_366 = tpu.memref_slice %arg6[%dma_start3A_363, %dma_start3A_364, %dma_start3A_365] : memref<4x200x64xf32, #tpu.memory_space<vmem>> -> memref<1x96x64xf32, #tpu.memory_space<vmem>>
        %dma_start3A_367 = tpu.memref_squeeze %dma_start3A_366 : memref<1x96x64xf32, #tpu.memory_space<vmem>> -> memref<96x64xf32, #tpu.memory_space<vmem>>
        %dma_start3A_368 = arith.constant 104 : i32
        %dma_start3A_369 = tpu.memref_slice %arg5[%sub3A_219, %dma_start3A_368] : memref<128x200xi32, #tpu.memory_space<vmem>> -> memref<1x96xi32, #tpu.memory_space<vmem>>
        %dma_start3A_370 = tpu.memref_squeeze %dma_start3A_369 : memref<1x96xi32, #tpu.memory_space<vmem>> -> memref<96xi32, #tpu.memory_space<vmem>>
        %dma_start3A_371 = arith.constant 0 : i32
        %dma_start3A_372 = arith.constant 0 : i32
        %dma_start3A_373 = tpu.memref_slice %arg3[%dma_start3A_371, %dma_start3A_372] : memref<102400x64xf32, #tpu.memory_space<hbm>> -> memref<102400x64xf32, #tpu.memory_space<hbm>>
        tpu.enqueue_indirect_dma source(%dma_start3A_373 : memref<102400x64xf32, #tpu.memory_space<hbm>>) target(%dma_start3A_367 : memref<96x64xf32, #tpu.memory_space<vmem>>) offsets(%dma_start3A_370 : memref<96xi32, #tpu.memory_space<vmem>>) semaphore(%arg9 : memref<!tpu.dma_semaphore, #tpu.memory_space<semaphore_mem>>)
      } else {
      }
      %dma_wait3A_225 = arith.constant 2 : i32
      %dma_wait3A_226 = arith.constant 0 : i32
      %dma_wait3A_227 = arith.constant 0 : i32
      %dma_wait3A_228 = tpu.memref_slice %arg6[%dma_wait3A_225, %dma_wait3A_226, %dma_wait3A_227] : memref<4x200x64xf32, #tpu.memory_space<vmem>> -> memref<1x104x64xf32, #tpu.memory_space<vmem>>
      %dma_wait3A_229 = tpu.memref_squeeze %dma_wait3A_228 : memref<1x104x64xf32, #tpu.memory_space<vmem>> -> memref<104x64xf32, #tpu.memory_space<vmem>>
      %dma_wait3A_230 = arith.constant 0 : i32
      %dma_wait3A_231 = tpu.memref_slice %arg5[%add3A_215, %dma_wait3A_230] : memref<128x200xi32, #tpu.memory_space<vmem>> -> memref<1x104xi32, #tpu.memory_space<vmem>>
      %dma_wait3A_232 = tpu.memref_squeeze %dma_wait3A_231 : memref<1x104xi32, #tpu.memory_space<vmem>> -> memref<104xi32, #tpu.memory_space<vmem>>
      %dma_wait3A_233 = arith.constant 0 : i32
      %dma_wait3A_234 = arith.constant 0 : i32
      %dma_wait3A_235 = tpu.memref_slice %arg3[%dma_wait3A_233, %dma_wait3A_234] : memref<102400x64xf32, #tpu.memory_space<hbm>> -> memref<102400x64xf32, #tpu.memory_space<hbm>>
      tpu.wait_indirect_dma semaphore(%arg10 : memref<!tpu.dma_semaphore, #tpu.memory_space<semaphore_mem>>) src(%dma_wait3A_235 : memref<102400x64xf32, #tpu.memory_space<hbm>>) dst(%dma_wait3A_229 : memref<104x64xf32, #tpu.memory_space<vmem>>)
      %dma_wait3A_236 = arith.constant 2 : i32
      %dma_wait3A_237 = arith.constant 104 : i32
      %dma_wait3A_238 = arith.constant 0 : i32
      %dma_wait3A_239 = tpu.memref_slice %arg6[%dma_wait3A_236, %dma_wait3A_237, %dma_wait3A_238] : memref<4x200x64xf32, #tpu.memory_space<vmem>> -> memref<1x96x64xf32, #tpu.memory_space<vmem>>
      %dma_wait3A_240 = tpu.memref_squeeze %dma_wait3A_239 : memref<1x96x64xf32, #tpu.memory_space<vmem>> -> memref<96x64xf32, #tpu.memory_space<vmem>>
      %dma_wait3A_241 = arith.constant 104 : i32
      %dma_wait3A_242 = tpu.memref_slice %arg5[%add3A_215, %dma_wait3A_241] : memref<128x200xi32, #tpu.memory_space<vmem>> -> memref<1x96xi32, #tpu.memory_space<vmem>>
      %dma_wait3A_243 = tpu.memref_squeeze %dma_wait3A_242 : memref<1x96xi32, #tpu.memory_space<vmem>> -> memref<96xi32, #tpu.memory_space<vmem>>
      %dma_wait3A_244 = arith.constant 0 : i32
      %dma_wait3A_245 = arith.constant 0 : i32
      %dma_wait3A_246 = tpu.memref_slice %arg3[%dma_wait3A_244, %dma_wait3A_245] : memref<102400x64xf32, #tpu.memory_space<hbm>> -> memref<102400x64xf32, #tpu.memory_space<hbm>>
      tpu.wait_indirect_dma semaphore(%arg10 : memref<!tpu.dma_semaphore, #tpu.memory_space<semaphore_mem>>) src(%dma_wait3A_246 : memref<102400x64xf32, #tpu.memory_space<hbm>>) dst(%dma_wait3A_240 : memref<96x64xf32, #tpu.memory_space<vmem>>)
      %broadcast_in_dim3A_247 = arith.constant 0.000000e+00 : f32
      %broadcast_in_dim3A_248 = vector.broadcast %broadcast_in_dim3A_247 : f32 to vector<16xf32>
      %scan3A_249 = arith.constant 0 : i32
      %scan3A_250 = arith.constant 25 : i32
      %scan3A_251 = arith.addi %scan3A_249, %scan3A_250 : i32
      %scan3A_252 = arith.constant 1 : i32
      %scan3A_253:4 = scf.for %scan3A_352 = %scan3A_249 to %scan3A_251 step %scan3A_252 iter_args(%scan3A_353 = %broadcast_in_dim3A_248, %scan3A_354 = %broadcast_in_dim3A_248, %scan3A_355 = %broadcast_in_dim3A_248, %scan3A_356 = %broadcast_in_dim3A_248) -> (vector<16xf32>, vector<16xf32>, vector<16xf32>, vector<16xf32>)  : i32 {
        %mul3A_357 = arith.constant 8 : i32
        %mul3A_358 = arith.muli %scan3A_352, %mul3A_357 : i32
        %add3A_359 = arith.constant 0 : i32
        %add3A_360 = arith.addi %mul3A_358, %add3A_359 : i32
        %get3A = arith.constant 2 : i32
        %get3A_361 = arith.index_cast %get3A : i32 to index
        %get3A_362 = arith.index_cast %add3A_360 : i32 to index
        %get3A_363 = arith.constant 0 : index
        %get3A_364 = tpu.vector_load %arg6[%get3A_361, %get3A_362, %get3A_363] {strides = array<i32>} : memref<4x200x64xf32, #tpu.memory_space<vmem>>, vector<1x1x16xf32>,
        %get3A_365 = vector.shape_cast %get3A_364 : vector<1x1x16xf32> to vector<16xf32>
        %add3A_366 = arith.addf %scan3A_353, %get3A_365 : vector<16xf32>
        %get3A_367 = arith.constant 2 : i32
        %get3A_368 = arith.index_cast %get3A_367 : i32 to index
        %get3A_369 = arith.index_cast %add3A_360 : i32 to index
        %get3A_370 = arith.constant 16 : index
        %get3A_371 = tpu.vector_load %arg6[%get3A_368, %get3A_369, %get3A_370] {strides = array<i32>} : memref<4x200x64xf32, #tpu.memory_space<vmem>>, vector<1x1x16xf32>,
        %get3A_372 = vector.shape_cast %get3A_371 : vector<1x1x16xf32> to vector<16xf32>
        %add3A_373 = arith.addf %scan3A_354, %get3A_372 : vector<16xf32>
        %get3A_374 = arith.constant 2 : i32
        %get3A_375 = arith.index_cast %get3A_374 : i32 to index
        %get3A_376 = arith.index_cast %add3A_360 : i32 to index
        %get3A_377 = arith.constant 32 : index
        %get3A_378 = tpu.vector_load %arg6[%get3A_375, %get3A_376, %get3A_377] {strides = array<i32>} : memref<4x200x64xf32, #tpu.memory_space<vmem>>, vector<1x1x16xf32>,
        %get3A_379 = vector.shape_cast %get3A_378 : vector<1x1x16xf32> to vector<16xf32>
        %add3A_380 = arith.addf %scan3A_355, %get3A_379 : vector<16xf32>
        %get3A_381 = arith.constant 2 : i32
        %get3A_382 = arith.index_cast %get3A_381 : i32 to index
        %get3A_383 = arith.index_cast %add3A_360 : i32 to index
        %get3A_384 = arith.constant 48 : index
        %get3A_385 = tpu.vector_load %arg6[%get3A_382, %get3A_383, %get3A_384] {strides = array<i32>} : memref<4x200x64xf32, #tpu.memory_space<vmem>>, vector<1x1x16xf32>,
        %get3A_386 = vector.shape_cast %get3A_385 : vector<1x1x16xf32> to vector<16xf32>
        %add3A_387 = arith.addf %scan3A_356, %get3A_386 : vector<16xf32>
        %mul3A_388 = arith.constant 8 : i32
        %mul3A_389 = arith.muli %scan3A_352, %mul3A_388 : i32
        %add3A_390 = arith.constant 1 : i32
        %add3A_391 = arith.addi %mul3A_389, %add3A_390 : i32
        %get3A_392 = arith.constant 2 : i32
        %get3A_393 = arith.index_cast %get3A_392 : i32 to index
        %get3A_394 = arith.index_cast %add3A_391 : i32 to index
        %get3A_395 = arith.constant 0 : index
        %get3A_396 = tpu.vector_load %arg6[%get3A_393, %get3A_394, %get3A_395] {strides = array<i32>} : memref<4x200x64xf32, #tpu.memory_space<vmem>>, vector<1x1x16xf32>,
        %get3A_397 = vector.shape_cast %get3A_396 : vector<1x1x16xf32> to vector<16xf32>
        %add3A_398 = arith.addf %add3A_366, %get3A_397 : vector<16xf32>
        %get3A_399 = arith.constant 2 : i32
        %get3A_400 = arith.index_cast %get3A_399 : i32 to index
        %get3A_401 = arith.index_cast %add3A_391 : i32 to index
        %get3A_402 = arith.constant 16 : index
        %get3A_403 = tpu.vector_load %arg6[%get3A_400, %get3A_401, %get3A_402] {strides = array<i32>} : memref<4x200x64xf32, #tpu.memory_space<vmem>>, vector<1x1x16xf32>,
        %get3A_404 = vector.shape_cast %get3A_403 : vector<1x1x16xf32> to vector<16xf32>
        %add3A_405 = arith.addf %add3A_373, %get3A_404 : vector<16xf32>
        %get3A_406 = arith.constant 2 : i32
        %get3A_407 = arith.index_cast %get3A_406 : i32 to index
        %get3A_408 = arith.index_cast %add3A_391 : i32 to index
        %get3A_409 = arith.constant 32 : index
        %get3A_410 = tpu.vector_load %arg6[%get3A_407, %get3A_408, %get3A_409] {strides = array<i32>} : memref<4x200x64xf32, #tpu.memory_space<vmem>>, vector<1x1x16xf32>,
        %get3A_411 = vector.shape_cast %get3A_410 : vector<1x1x16xf32> to vector<16xf32>
        %add3A_412 = arith.addf %add3A_380, %get3A_411 : vector<16xf32>
        %get3A_413 = arith.constant 2 : i32
        %get3A_414 = arith.index_cast %get3A_413 : i32 to index
        %get3A_415 = arith.index_cast %add3A_391 : i32 to index
        %get3A_416 = arith.constant 48 : index
        %get3A_417 = tpu.vector_load %arg6[%get3A_414, %get3A_415, %get3A_416] {strides = array<i32>} : memref<4x200x64xf32, #tpu.memory_space<vmem>>, vector<1x1x16xf32>,
        %get3A_418 = vector.shape_cast %get3A_417 : vector<1x1x16xf32> to vector<16xf32>
        %add3A_419 = arith.addf %add3A_387, %get3A_418 : vector<16xf32>
        %mul3A_420 = arith.constant 8 : i32
        %mul3A_421 = arith.muli %scan3A_352, %mul3A_420 : i32
        %add3A_422 = arith.constant 2 : i32
        %add3A_423 = arith.addi %mul3A_421, %add3A_422 : i32
        %get3A_424 = arith.constant 2 : i32
        %get3A_425 = arith.index_cast %get3A_424 : i32 to index
        %get3A_426 = arith.index_cast %add3A_423 : i32 to index
        %get3A_427 = arith.constant 0 : index
        %get3A_428 = tpu.vector_load %arg6[%get3A_425, %get3A_426, %get3A_427] {strides = array<i32>} : memref<4x200x64xf32, #tpu.memory_space<vmem>>, vector<1x1x16xf32>,
        %get3A_429 = vector.shape_cast %get3A_428 : vector<1x1x16xf32> to vector<16xf32>
        %add3A_430 = arith.addf %add3A_398, %get3A_429 : vector<16xf32>
        %get3A_431 = arith.constant 2 : i32
        %get3A_432 = arith.index_cast %get3A_431 : i32 to index
        %get3A_433 = arith.index_cast %add3A_423 : i32 to index
        %get3A_434 = arith.constant 16 : index
        %get3A_435 = tpu.vector_load %arg6[%get3A_432, %get3A_433, %get3A_434] {strides = array<i32>} : memref<4x200x64xf32, #tpu.memory_space<vmem>>, vector<1x1x16xf32>,
        %get3A_436 = vector.shape_cast %get3A_435 : vector<1x1x16xf32> to vector<16xf32>
        %add3A_437 = arith.addf %add3A_405, %get3A_436 : vector<16xf32>
        %get3A_438 = arith.constant 2 : i32
        %get3A_439 = arith.index_cast %get3A_438 : i32 to index
        %get3A_440 = arith.index_cast %add3A_423 : i32 to index
        %get3A_441 = arith.constant 32 : index
        %get3A_442 = tpu.vector_load %arg6[%get3A_439, %get3A_440, %get3A_441] {strides = array<i32>} : memref<4x200x64xf32, #tpu.memory_space<vmem>>, vector<1x1x16xf32>,
        %get3A_443 = vector.shape_cast %get3A_442 : vector<1x1x16xf32> to vector<16xf32>
        %add3A_444 = arith.addf %add3A_412, %get3A_443 : vector<16xf32>
        %get3A_445 = arith.constant 2 : i32
        %get3A_446 = arith.index_cast %get3A_445 : i32 to index
        %get3A_447 = arith.index_cast %add3A_423 : i32 to index
        %get3A_448 = arith.constant 48 : index
        %get3A_449 = tpu.vector_load %arg6[%get3A_446, %get3A_447, %get3A_448] {strides = array<i32>} : memref<4x200x64xf32, #tpu.memory_space<vmem>>, vector<1x1x16xf32>,
        %get3A_450 = vector.shape_cast %get3A_449 : vector<1x1x16xf32> to vector<16xf32>
        %add3A_451 = arith.addf %add3A_419, %get3A_450 : vector<16xf32>
        %mul3A_452 = arith.constant 8 : i32
        %mul3A_453 = arith.muli %scan3A_352, %mul3A_452 : i32
        %add3A_454 = arith.constant 3 : i32
        %add3A_455 = arith.addi %mul3A_453, %add3A_454 : i32
        %get3A_456 = arith.constant 2 : i32
        %get3A_457 = arith.index_cast %get3A_456 : i32 to index
        %get3A_458 = arith.index_cast %add3A_455 : i32 to index
        %get3A_459 = arith.constant 0 : index
        %get3A_460 = tpu.vector_load %arg6[%get3A_457, %get3A_458, %get3A_459] {strides = array<i32>} : memref<4x200x64xf32, #tpu.memory_space<vmem>>, vector<1x1x16xf32>,
        %get3A_461 = vector.shape_cast %get3A_460 : vector<1x1x16xf32> to vector<16xf32>
        %add3A_462 = arith.addf %add3A_430, %get3A_461 : vector<16xf32>
        %get3A_463 = arith.constant 2 : i32
        %get3A_464 = arith.index_cast %get3A_463 : i32 to index
        %get3A_465 = arith.index_cast %add3A_455 : i32 to index
        %get3A_466 = arith.constant 16 : index
        %get3A_467 = tpu.vector_load %arg6[%get3A_464, %get3A_465, %get3A_466] {strides = array<i32>} : memref<4x200x64xf32, #tpu.memory_space<vmem>>, vector<1x1x16xf32>,
        %get3A_468 = vector.shape_cast %get3A_467 : vector<1x1x16xf32> to vector<16xf32>
        %add3A_469 = arith.addf %add3A_437, %get3A_468 : vector<16xf32>
        %get3A_470 = arith.constant 2 : i32
        %get3A_471 = arith.index_cast %get3A_470 : i32 to index
        %get3A_472 = arith.index_cast %add3A_455 : i32 to index
        %get3A_473 = arith.constant 32 : index
        %get3A_474 = tpu.vector_load %arg6[%get3A_471, %get3A_472, %get3A_473] {strides = array<i32>} : memref<4x200x64xf32, #tpu.memory_space<vmem>>, vector<1x1x16xf32>,
        %get3A_475 = vector.shape_cast %get3A_474 : vector<1x1x16xf32> to vector<16xf32>
        %add3A_476 = arith.addf %add3A_444, %get3A_475 : vector<16xf32>
        %get3A_477 = arith.constant 2 : i32
        %get3A_478 = arith.index_cast %get3A_477 : i32 to index
        %get3A_479 = arith.index_cast %add3A_455 : i32 to index
        %get3A_480 = arith.constant 48 : index
        %get3A_481 = tpu.vector_load %arg6[%get3A_478, %get3A_479, %get3A_480] {strides = array<i32>} : memref<4x200x64xf32, #tpu.memory_space<vmem>>, vector<1x1x16xf32>,
        %get3A_482 = vector.shape_cast %get3A_481 : vector<1x1x16xf32> to vector<16xf32>
        %add3A_483 = arith.addf %add3A_451, %get3A_482 : vector<16xf32>
        %mul3A_484 = arith.constant 8 : i32
        %mul3A_485 = arith.muli %scan3A_352, %mul3A_484 : i32
        %add3A_486 = arith.constant 4 : i32
        %add3A_487 = arith.addi %mul3A_485, %add3A_486 : i32
        %get3A_488 = arith.constant 2 : i32
        %get3A_489 = arith.index_cast %get3A_488 : i32 to index
        %get3A_490 = arith.index_cast %add3A_487 : i32 to index
        %get3A_491 = arith.constant 0 : index
        %get3A_492 = tpu.vector_load %arg6[%get3A_489, %get3A_490, %get3A_491] {strides = array<i32>} : memref<4x200x64xf32, #tpu.memory_space<vmem>>, vector<1x1x16xf32>,
        %get3A_493 = vector.shape_cast %get3A_492 : vector<1x1x16xf32> to vector<16xf32>
        %add3A_494 = arith.addf %add3A_462, %get3A_493 : vector<16xf32>
        %get3A_495 = arith.constant 2 : i32
        %get3A_496 = arith.index_cast %get3A_495 : i32 to index
        %get3A_497 = arith.index_cast %add3A_487 : i32 to index
        %get3A_498 = arith.constant 16 : index
        %get3A_499 = tpu.vector_load %arg6[%get3A_496, %get3A_497, %get3A_498] {strides = array<i32>} : memref<4x200x64xf32, #tpu.memory_space<vmem>>, vector<1x1x16xf32>,
        %get3A_500 = vector.shape_cast %get3A_499 : vector<1x1x16xf32> to vector<16xf32>
        %add3A_501 = arith.addf %add3A_469, %get3A_500 : vector<16xf32>
        %get3A_502 = arith.constant 2 : i32
        %get3A_503 = arith.index_cast %get3A_502 : i32 to index
        %get3A_504 = arith.index_cast %add3A_487 : i32 to index
        %get3A_505 = arith.constant 32 : index
        %get3A_506 = tpu.vector_load %arg6[%get3A_503, %get3A_504, %get3A_505] {strides = array<i32>} : memref<4x200x64xf32, #tpu.memory_space<vmem>>, vector<1x1x16xf32>,
        %get3A_507 = vector.shape_cast %get3A_506 : vector<1x1x16xf32> to vector<16xf32>
        %add3A_508 = arith.addf %add3A_476, %get3A_507 : vector<16xf32>
        %get3A_509 = arith.constant 2 : i32
        %get3A_510 = arith.index_cast %get3A_509 : i32 to index
        %get3A_511 = arith.index_cast %add3A_487 : i32 to index
        %get3A_512 = arith.constant 48 : index
        %get3A_513 = tpu.vector_load %arg6[%get3A_510, %get3A_511, %get3A_512] {strides = array<i32>} : memref<4x200x64xf32, #tpu.memory_space<vmem>>, vector<1x1x16xf32>,
        %get3A_514 = vector.shape_cast %get3A_513 : vector<1x1x16xf32> to vector<16xf32>
        %add3A_515 = arith.addf %add3A_483, %get3A_514 : vector<16xf32>
        %mul3A_516 = arith.constant 8 : i32
        %mul3A_517 = arith.muli %scan3A_352, %mul3A_516 : i32
        %add3A_518 = arith.constant 5 : i32
        %add3A_519 = arith.addi %mul3A_517, %add3A_518 : i32
        %get3A_520 = arith.constant 2 : i32
        %get3A_521 = arith.index_cast %get3A_520 : i32 to index
        %get3A_522 = arith.index_cast %add3A_519 : i32 to index
        %get3A_523 = arith.constant 0 : index
        %get3A_524 = tpu.vector_load %arg6[%get3A_521, %get3A_522, %get3A_523] {strides = array<i32>} : memref<4x200x64xf32, #tpu.memory_space<vmem>>, vector<1x1x16xf32>,
        %get3A_525 = vector.shape_cast %get3A_524 : vector<1x1x16xf32> to vector<16xf32>
        %add3A_526 = arith.addf %add3A_494, %get3A_525 : vector<16xf32>
        %get3A_527 = arith.constant 2 : i32
        %get3A_528 = arith.index_cast %get3A_527 : i32 to index
        %get3A_529 = arith.index_cast %add3A_519 : i32 to index
        %get3A_530 = arith.constant 16 : index
        %get3A_531 = tpu.vector_load %arg6[%get3A_528, %get3A_529, %get3A_530] {strides = array<i32>} : memref<4x200x64xf32, #tpu.memory_space<vmem>>, vector<1x1x16xf32>,
        %get3A_532 = vector.shape_cast %get3A_531 : vector<1x1x16xf32> to vector<16xf32>
        %add3A_533 = arith.addf %add3A_501, %get3A_532 : vector<16xf32>
        %get3A_534 = arith.constant 2 : i32
        %get3A_535 = arith.index_cast %get3A_534 : i32 to index
        %get3A_536 = arith.index_cast %add3A_519 : i32 to index
        %get3A_537 = arith.constant 32 : index
        %get3A_538 = tpu.vector_load %arg6[%get3A_535, %get3A_536, %get3A_537] {strides = array<i32>} : memref<4x200x64xf32, #tpu.memory_space<vmem>>, vector<1x1x16xf32>,
        %get3A_539 = vector.shape_cast %get3A_538 : vector<1x1x16xf32> to vector<16xf32>
        %add3A_540 = arith.addf %add3A_508, %get3A_539 : vector<16xf32>
        %get3A_541 = arith.constant 2 : i32
        %get3A_542 = arith.index_cast %get3A_541 : i32 to index
        %get3A_543 = arith.index_cast %add3A_519 : i32 to index
        %get3A_544 = arith.constant 48 : index
        %get3A_545 = tpu.vector_load %arg6[%get3A_542, %get3A_543, %get3A_544] {strides = array<i32>} : memref<4x200x64xf32, #tpu.memory_space<vmem>>, vector<1x1x16xf32>,
        %get3A_546 = vector.shape_cast %get3A_545 : vector<1x1x16xf32> to vector<16xf32>
        %add3A_547 = arith.addf %add3A_515, %get3A_546 : vector<16xf32>
        %mul3A_548 = arith.constant 8 : i32
        %mul3A_549 = arith.muli %scan3A_352, %mul3A_548 : i32
        %add3A_550 = arith.constant 6 : i32
        %add3A_551 = arith.addi %mul3A_549, %add3A_550 : i32
        %get3A_552 = arith.constant 2 : i32
        %get3A_553 = arith.index_cast %get3A_552 : i32 to index
        %get3A_554 = arith.index_cast %add3A_551 : i32 to index
        %get3A_555 = arith.constant 0 : index
        %get3A_556 = tpu.vector_load %arg6[%get3A_553, %get3A_554, %get3A_555] {strides = array<i32>} : memref<4x200x64xf32, #tpu.memory_space<vmem>>, vector<1x1x16xf32>,
        %get3A_557 = vector.shape_cast %get3A_556 : vector<1x1x16xf32> to vector<16xf32>
        %add3A_558 = arith.addf %add3A_526, %get3A_557 : vector<16xf32>
        %get3A_559 = arith.constant 2 : i32
        %get3A_560 = arith.index_cast %get3A_559 : i32 to index
        %get3A_561 = arith.index_cast %add3A_551 : i32 to index
        %get3A_562 = arith.constant 16 : index
        %get3A_563 = tpu.vector_load %arg6[%get3A_560, %get3A_561, %get3A_562] {strides = array<i32>} : memref<4x200x64xf32, #tpu.memory_space<vmem>>, vector<1x1x16xf32>,
        %get3A_564 = vector.shape_cast %get3A_563 : vector<1x1x16xf32> to vector<16xf32>
        %add3A_565 = arith.addf %add3A_533, %get3A_564 : vector<16xf32>
        %get3A_566 = arith.constant 2 : i32
        %get3A_567 = arith.index_cast %get3A_566 : i32 to index
        %get3A_568 = arith.index_cast %add3A_551 : i32 to index
        %get3A_569 = arith.constant 32 : index
        %get3A_570 = tpu.vector_load %arg6[%get3A_567, %get3A_568, %get3A_569] {strides = array<i32>} : memref<4x200x64xf32, #tpu.memory_space<vmem>>, vector<1x1x16xf32>,
        %get3A_571 = vector.shape_cast %get3A_570 : vector<1x1x16xf32> to vector<16xf32>
        %add3A_572 = arith.addf %add3A_540, %get3A_571 : vector<16xf32>
        %get3A_573 = arith.constant 2 : i32
        %get3A_574 = arith.index_cast %get3A_573 : i32 to index
        %get3A_575 = arith.index_cast %add3A_551 : i32 to index
        %get3A_576 = arith.constant 48 : index
        %get3A_577 = tpu.vector_load %arg6[%get3A_574, %get3A_575, %get3A_576] {strides = array<i32>} : memref<4x200x64xf32, #tpu.memory_space<vmem>>, vector<1x1x16xf32>,
        %get3A_578 = vector.shape_cast %get3A_577 : vector<1x1x16xf32> to vector<16xf32>
        %add3A_579 = arith.addf %add3A_547, %get3A_578 : vector<16xf32>
        %mul3A_580 = arith.constant 8 : i32
        %mul3A_581 = arith.muli %scan3A_352, %mul3A_580 : i32
        %add3A_582 = arith.constant 7 : i32
        %add3A_583 = arith.addi %mul3A_581, %add3A_582 : i32
        %get3A_584 = arith.constant 2 : i32
        %get3A_585 = arith.index_cast %get3A_584 : i32 to index
        %get3A_586 = arith.index_cast %add3A_583 : i32 to index
        %get3A_587 = arith.constant 0 : index
        %get3A_588 = tpu.vector_load %arg6[%get3A_585, %get3A_586, %get3A_587] {strides = array<i32>} : memref<4x200x64xf32, #tpu.memory_space<vmem>>, vector<1x1x16xf32>,
        %get3A_589 = vector.shape_cast %get3A_588 : vector<1x1x16xf32> to vector<16xf32>
        %add3A_590 = arith.addf %add3A_558, %get3A_589 : vector<16xf32>
        %get3A_591 = arith.constant 2 : i32
        %get3A_592 = arith.index_cast %get3A_591 : i32 to index
        %get3A_593 = arith.index_cast %add3A_583 : i32 to index
        %get3A_594 = arith.constant 16 : index
        %get3A_595 = tpu.vector_load %arg6[%get3A_592, %get3A_593, %get3A_594] {strides = array<i32>} : memref<4x200x64xf32, #tpu.memory_space<vmem>>, vector<1x1x16xf32>,
        %get3A_596 = vector.shape_cast %get3A_595 : vector<1x1x16xf32> to vector<16xf32>
        %add3A_597 = arith.addf %add3A_565, %get3A_596 : vector<16xf32>
        %get3A_598 = arith.constant 2 : i32
        %get3A_599 = arith.index_cast %get3A_598 : i32 to index
        %get3A_600 = arith.index_cast %add3A_583 : i32 to index
        %get3A_601 = arith.constant 32 : index
        %get3A_602 = tpu.vector_load %arg6[%get3A_599, %get3A_600, %get3A_601] {strides = array<i32>} : memref<4x200x64xf32, #tpu.memory_space<vmem>>, vector<1x1x16xf32>,
        %get3A_603 = vector.shape_cast %get3A_602 : vector<1x1x16xf32> to vector<16xf32>
        %add3A_604 = arith.addf %add3A_572, %get3A_603 : vector<16xf32>
        %get3A_605 = arith.constant 2 : i32
        %get3A_606 = arith.index_cast %get3A_605 : i32 to index
        %get3A_607 = arith.index_cast %add3A_583 : i32 to index
        %get3A_608 = arith.constant 48 : index
        %get3A_609 = tpu.vector_load %arg6[%get3A_606, %get3A_607, %get3A_608] {strides = array<i32>} : memref<4x200x64xf32, #tpu.memory_space<vmem>>, vector<1x1x16xf32>,
        %get3A_610 = vector.shape_cast %get3A_609 : vector<1x1x16xf32> to vector<16xf32>
        %add3A_611 = arith.addf %add3A_579, %get3A_610 : vector<16xf32>
        scf.yield %add3A_590, %add3A_597, %add3A_604, %add3A_611 : vector<16xf32>, vector<16xf32>, vector<16xf32>, vector<16xf32>
      }
      %scan3A_254 = arith.constant 25 : i32
      %mul3A_255 = vector.broadcast %scan3A_74 : f32 to vector<16xf32>
      %mul3A_256 = arith.mulf %scan3A_253#0, %mul3A_255 : vector<16xf32>
      %swap3A_257 = arith.index_cast %add3A_215 : i32 to index
      %swap3A_258 = arith.constant 0 : index
      %swap3A_259 = tpu.vector_load %arg7[%swap3A_257, %swap3A_258] {strides = array<i32>} : memref<128x64xf32, #tpu.memory_space<vmem>>, vector<1x16xf32>,
      %swap3A_260 = vector.shape_cast %swap3A_259 : vector<1x16xf32> to vector<16xf32>
      %swap3A_261 = vector.shape_cast %mul3A_256 : vector<16xf32> to vector<1x16xf32>
      tpu.vector_store %arg7[%swap3A_257, %swap3A_258], %swap3A_261 {strides = array<i32>} : memref<128x64xf32, #tpu.memory_space<vmem>>, vector<1x16xf32>,
      %mul3A_262 = vector.broadcast %scan3A_74 : f32 to vector<16xf32>
      %mul3A_263 = arith.mulf %scan3A_253#1, %mul3A_262 : vector<16xf32>
      %swap3A_264 = arith.index_cast %add3A_215 : i32 to index
      %swap3A_265 = arith.constant 16 : index
      %swap3A_266 = tpu.vector_load %arg7[%swap3A_264, %swap3A_265] {strides = array<i32>} : memref<128x64xf32, #tpu.memory_space<vmem>>, vector<1x16xf32>,
      %swap3A_267 = vector.shape_cast %swap3A_266 : vector<1x16xf32> to vector<16xf32>
      %swap3A_268 = vector.shape_cast %mul3A_263 : vector<16xf32> to vector<1x16xf32>
      tpu.vector_store %arg7[%swap3A_264, %swap3A_265], %swap3A_268 {strides = array<i32>} : memref<128x64xf32, #tpu.memory_space<vmem>>, vector<1x16xf32>,
      %mul3A_269 = vector.broadcast %scan3A_74 : f32 to vector<16xf32>
      %mul3A_270 = arith.mulf %scan3A_253#2, %mul3A_269 : vector<16xf32>
      %swap3A_271 = arith.index_cast %add3A_215 : i32 to index
      %swap3A_272 = arith.constant 32 : index
      %swap3A_273 = tpu.vector_load %arg7[%swap3A_271, %swap3A_272] {strides = array<i32>} : memref<128x64xf32, #tpu.memory_space<vmem>>, vector<1x16xf32>,
      %swap3A_274 = vector.shape_cast %swap3A_273 : vector<1x16xf32> to vector<16xf32>
      %swap3A_275 = vector.shape_cast %mul3A_270 : vector<16xf32> to vector<1x16xf32>
      tpu.vector_store %arg7[%swap3A_271, %swap3A_272], %swap3A_275 {strides = array<i32>} : memref<128x64xf32, #tpu.memory_space<vmem>>, vector<1x16xf32>,
      %mul3A_276 = vector.broadcast %scan3A_74 : f32 to vector<16xf32>
      %mul3A_277 = arith.mulf %scan3A_253#3, %mul3A_276 : vector<16xf32>
      %swap3A_278 = arith.index_cast %add3A_215 : i32 to index
      %swap3A_279 = arith.constant 48 : index
      %swap3A_280 = tpu.vector_load %arg7[%swap3A_278, %swap3A_279] {strides = array<i32>} : memref<128x64xf32, #tpu.memory_space<vmem>>, vector<1x16xf32>,
      %swap3A_281 = vector.shape_cast %swap3A_280 : vector<1x16xf32> to vector<16xf32>
      %swap3A_282 = vector.shape_cast %mul3A_277 : vector<16xf32> to vector<1x16xf32>
      tpu.vector_store %arg7[%swap3A_278, %swap3A_279], %swap3A_282 {strides = array<i32>} : memref<128x64xf32, #tpu.memory_space<vmem>>, vector<1x16xf32>,
      %add3A_283 = arith.constant 3 : i32
      %add3A_284 = arith.addi %mul3A_82, %add3A_283 : i32
      %add3A_285 = arith.constant 4 : i32
      %add3A_286 = arith.addi %add3A_284, %add3A_285 : i32
      %sub3A_287 = arith.constant 1 : i32
      %sub3A_288 = arith.subi %add3A_286, %sub3A_287 : i32
      %lt3A_289 = arith.constant 128 : i32
      %lt3A_290 = arith.cmpi slt, %sub3A_288, %lt3A_289 : i32
      %convert_element_type3A_291 = arith.extui %lt3A_290 : i1 to i32
      %cond3A_292 = arith.constant 0 : i32
      %cond3A_293 = arith.cmpi ne, %convert_element_type3A_291, %cond3A_292 : i32
      scf.if %cond3A_293 {
        %dma_start3A_352 = arith.constant 2 : i32
        %dma_start3A_353 = arith.constant 0 : i32
        %dma_start3A_354 = arith.constant 0 : i32
        %dma_start3A_355 = tpu.memref_slice %arg6[%dma_start3A_352, %dma_start3A_353, %dma_start3A_354] : memref<4x200x64xf32, #tpu.memory_space<vmem>> -> memref<1x104x64xf32, #tpu.memory_space<vmem>>
        %dma_start3A_356 = tpu.memref_squeeze %dma_start3A_355 : memref<1x104x64xf32, #tpu.memory_space<vmem>> -> memref<104x64xf32, #tpu.memory_space<vmem>>
        %dma_start3A_357 = arith.constant 0 : i32
        %dma_start3A_358 = tpu.memref_slice %arg5[%sub3A_288, %dma_start3A_357] : memref<128x200xi32, #tpu.memory_space<vmem>> -> memref<1x104xi32, #tpu.memory_space<vmem>>
        %dma_start3A_359 = tpu.memref_squeeze %dma_start3A_358 : memref<1x104xi32, #tpu.memory_space<vmem>> -> memref<104xi32, #tpu.memory_space<vmem>>
        %dma_start3A_360 = arith.constant 0 : i32
        %dma_start3A_361 = arith.constant 0 : i32
        %dma_start3A_362 = tpu.memref_slice %arg3[%dma_start3A_360, %dma_start3A_361] : memref<102400x64xf32, #tpu.memory_space<hbm>> -> memref<102400x64xf32, #tpu.memory_space<hbm>>
        tpu.enqueue_indirect_dma source(%dma_start3A_362 : memref<102400x64xf32, #tpu.memory_space<hbm>>) target(%dma_start3A_356 : memref<104x64xf32, #tpu.memory_space<vmem>>) offsets(%dma_start3A_359 : memref<104xi32, #tpu.memory_space<vmem>>) semaphore(%arg10 : memref<!tpu.dma_semaphore, #tpu.memory_space<semaphore_mem>>)
        %dma_start3A_363 = arith.constant 2 : i32
        %dma_start3A_364 = arith.constant 104 : i32
        %dma_start3A_365 = arith.constant 0 : i32
        %dma_start3A_366 = tpu.memref_slice %arg6[%dma_start3A_363, %dma_start3A_364, %dma_start3A_365] : memref<4x200x64xf32, #tpu.memory_space<vmem>> -> memref<1x96x64xf32, #tpu.memory_space<vmem>>
        %dma_start3A_367 = tpu.memref_squeeze %dma_start3A_366 : memref<1x96x64xf32, #tpu.memory_space<vmem>> -> memref<96x64xf32, #tpu.memory_space<vmem>>
        %dma_start3A_368 = arith.constant 104 : i32
        %dma_start3A_369 = tpu.memref_slice %arg5[%sub3A_288, %dma_start3A_368] : memref<128x200xi32, #tpu.memory_space<vmem>> -> memref<1x96xi32, #tpu.memory_space<vmem>>
        %dma_start3A_370 = tpu.memref_squeeze %dma_start3A_369 : memref<1x96xi32, #tpu.memory_space<vmem>> -> memref<96xi32, #tpu.memory_space<vmem>>
        %dma_start3A_371 = arith.constant 0 : i32
        %dma_start3A_372 = arith.constant 0 : i32
        %dma_start3A_373 = tpu.memref_slice %arg3[%dma_start3A_371, %dma_start3A_372] : memref<102400x64xf32, #tpu.memory_space<hbm>> -> memref<102400x64xf32, #tpu.memory_space<hbm>>
        tpu.enqueue_indirect_dma source(%dma_start3A_373 : memref<102400x64xf32, #tpu.memory_space<hbm>>) target(%dma_start3A_367 : memref<96x64xf32, #tpu.memory_space<vmem>>) offsets(%dma_start3A_370 : memref<96xi32, #tpu.memory_space<vmem>>) semaphore(%arg10 : memref<!tpu.dma_semaphore, #tpu.memory_space<semaphore_mem>>)
      } else {
      }
      %dma_wait3A_294 = arith.constant 3 : i32
      %dma_wait3A_295 = arith.constant 0 : i32
      %dma_wait3A_296 = arith.constant 0 : i32
      %dma_wait3A_297 = tpu.memref_slice %arg6[%dma_wait3A_294, %dma_wait3A_295, %dma_wait3A_296] : memref<4x200x64xf32, #tpu.memory_space<vmem>> -> memref<1x104x64xf32, #tpu.memory_space<vmem>>
      %dma_wait3A_298 = tpu.memref_squeeze %dma_wait3A_297 : memref<1x104x64xf32, #tpu.memory_space<vmem>> -> memref<104x64xf32, #tpu.memory_space<vmem>>
      %dma_wait3A_299 = arith.constant 0 : i32
      %dma_wait3A_300 = tpu.memref_slice %arg5[%add3A_284, %dma_wait3A_299] : memref<128x200xi32, #tpu.memory_space<vmem>> -> memref<1x104xi32, #tpu.memory_space<vmem>>
      %dma_wait3A_301 = tpu.memref_squeeze %dma_wait3A_300 : memref<1x104xi32, #tpu.memory_space<vmem>> -> memref<104xi32, #tpu.memory_space<vmem>>
      %dma_wait3A_302 = arith.constant 0 : i32
      %dma_wait3A_303 = arith.constant 0 : i32
      %dma_wait3A_304 = tpu.memref_slice %arg3[%dma_wait3A_302, %dma_wait3A_303] : memref<102400x64xf32, #tpu.memory_space<hbm>> -> memref<102400x64xf32, #tpu.memory_space<hbm>>
      tpu.wait_indirect_dma semaphore(%arg11 : memref<!tpu.dma_semaphore, #tpu.memory_space<semaphore_mem>>) src(%dma_wait3A_304 : memref<102400x64xf32, #tpu.memory_space<hbm>>) dst(%dma_wait3A_298 : memref<104x64xf32, #tpu.memory_space<vmem>>)
      %dma_wait3A_305 = arith.constant 3 : i32
      %dma_wait3A_306 = arith.constant 104 : i32
      %dma_wait3A_307 = arith.constant 0 : i32
      %dma_wait3A_308 = tpu.memref_slice %arg6[%dma_wait3A_305, %dma_wait3A_306, %dma_wait3A_307] : memref<4x200x64xf32, #tpu.memory_space<vmem>> -> memref<1x96x64xf32, #tpu.memory_space<vmem>>
      %dma_wait3A_309 = tpu.memref_squeeze %dma_wait3A_308 : memref<1x96x64xf32, #tpu.memory_space<vmem>> -> memref<96x64xf32, #tpu.memory_space<vmem>>
      %dma_wait3A_310 = arith.constant 104 : i32
      %dma_wait3A_311 = tpu.memref_slice %arg5[%add3A_284, %dma_wait3A_310] : memref<128x200xi32, #tpu.memory_space<vmem>> -> memref<1x96xi32, #tpu.memory_space<vmem>>
      %dma_wait3A_312 = tpu.memref_squeeze %dma_wait3A_311 : memref<1x96xi32, #tpu.memory_space<vmem>> -> memref<96xi32, #tpu.memory_space<vmem>>
      %dma_wait3A_313 = arith.constant 0 : i32
      %dma_wait3A_314 = arith.constant 0 : i32
      %dma_wait3A_315 = tpu.memref_slice %arg3[%dma_wait3A_313, %dma_wait3A_314] : memref<102400x64xf32, #tpu.memory_space<hbm>> -> memref<102400x64xf32, #tpu.memory_space<hbm>>
      tpu.wait_indirect_dma semaphore(%arg11 : memref<!tpu.dma_semaphore, #tpu.memory_space<semaphore_mem>>) src(%dma_wait3A_315 : memref<102400x64xf32, #tpu.memory_space<hbm>>) dst(%dma_wait3A_309 : memref<96x64xf32, #tpu.memory_space<vmem>>)
      %broadcast_in_dim3A_316 = arith.constant 0.000000e+00 : f32
      %broadcast_in_dim3A_317 = vector.broadcast %broadcast_in_dim3A_316 : f32 to vector<16xf32>
      %scan3A_318 = arith.constant 0 : i32
      %scan3A_319 = arith.constant 25 : i32
      %scan3A_320 = arith.addi %scan3A_318, %scan3A_319 : i32
      %scan3A_321 = arith.constant 1 : i32
      %scan3A_322:4 = scf.for %scan3A_352 = %scan3A_318 to %scan3A_320 step %scan3A_321 iter_args(%scan3A_353 = %broadcast_in_dim3A_317, %scan3A_354 = %broadcast_in_dim3A_317, %scan3A_355 = %broadcast_in_dim3A_317, %scan3A_356 = %broadcast_in_dim3A_317) -> (vector<16xf32>, vector<16xf32>, vector<16xf32>, vector<16xf32>)  : i32 {
        %mul3A_357 = arith.constant 8 : i32
        %mul3A_358 = arith.muli %scan3A_352, %mul3A_357 : i32
        %add3A_359 = arith.constant 0 : i32
        %add3A_360 = arith.addi %mul3A_358, %add3A_359 : i32
        %get3A = arith.constant 3 : i32
        %get3A_361 = arith.index_cast %get3A : i32 to index
        %get3A_362 = arith.index_cast %add3A_360 : i32 to index
        %get3A_363 = arith.constant 0 : index
        %get3A_364 = tpu.vector_load %arg6[%get3A_361, %get3A_362, %get3A_363] {strides = array<i32>} : memref<4x200x64xf32, #tpu.memory_space<vmem>>, vector<1x1x16xf32>,
        %get3A_365 = vector.shape_cast %get3A_364 : vector<1x1x16xf32> to vector<16xf32>
        %add3A_366 = arith.addf %scan3A_353, %get3A_365 : vector<16xf32>
        %get3A_367 = arith.constant 3 : i32
        %get3A_368 = arith.index_cast %get3A_367 : i32 to index
        %get3A_369 = arith.index_cast %add3A_360 : i32 to index
        %get3A_370 = arith.constant 16 : index
        %get3A_371 = tpu.vector_load %arg6[%get3A_368, %get3A_369, %get3A_370] {strides = array<i32>} : memref<4x200x64xf32, #tpu.memory_space<vmem>>, vector<1x1x16xf32>,
        %get3A_372 = vector.shape_cast %get3A_371 : vector<1x1x16xf32> to vector<16xf32>
        %add3A_373 = arith.addf %scan3A_354, %get3A_372 : vector<16xf32>
        %get3A_374 = arith.constant 3 : i32
        %get3A_375 = arith.index_cast %get3A_374 : i32 to index
        %get3A_376 = arith.index_cast %add3A_360 : i32 to index
        %get3A_377 = arith.constant 32 : index
        %get3A_378 = tpu.vector_load %arg6[%get3A_375, %get3A_376, %get3A_377] {strides = array<i32>} : memref<4x200x64xf32, #tpu.memory_space<vmem>>, vector<1x1x16xf32>,
        %get3A_379 = vector.shape_cast %get3A_378 : vector<1x1x16xf32> to vector<16xf32>
        %add3A_380 = arith.addf %scan3A_355, %get3A_379 : vector<16xf32>
        %get3A_381 = arith.constant 3 : i32
        %get3A_382 = arith.index_cast %get3A_381 : i32 to index
        %get3A_383 = arith.index_cast %add3A_360 : i32 to index
        %get3A_384 = arith.constant 48 : index
        %get3A_385 = tpu.vector_load %arg6[%get3A_382, %get3A_383, %get3A_384] {strides = array<i32>} : memref<4x200x64xf32, #tpu.memory_space<vmem>>, vector<1x1x16xf32>,
        %get3A_386 = vector.shape_cast %get3A_385 : vector<1x1x16xf32> to vector<16xf32>
        %add3A_387 = arith.addf %scan3A_356, %get3A_386 : vector<16xf32>
        %mul3A_388 = arith.constant 8 : i32
        %mul3A_389 = arith.muli %scan3A_352, %mul3A_388 : i32
        %add3A_390 = arith.constant 1 : i32
        %add3A_391 = arith.addi %mul3A_389, %add3A_390 : i32
        %get3A_392 = arith.constant 3 : i32
        %get3A_393 = arith.index_cast %get3A_392 : i32 to index
        %get3A_394 = arith.index_cast %add3A_391 : i32 to index
        %get3A_395 = arith.constant 0 : index
        %get3A_396 = tpu.vector_load %arg6[%get3A_393, %get3A_394, %get3A_395] {strides = array<i32>} : memref<4x200x64xf32, #tpu.memory_space<vmem>>, vector<1x1x16xf32>,
        %get3A_397 = vector.shape_cast %get3A_396 : vector<1x1x16xf32> to vector<16xf32>
        %add3A_398 = arith.addf %add3A_366, %get3A_397 : vector<16xf32>
        %get3A_399 = arith.constant 3 : i32
        %get3A_400 = arith.index_cast %get3A_399 : i32 to index
        %get3A_401 = arith.index_cast %add3A_391 : i32 to index
        %get3A_402 = arith.constant 16 : index
        %get3A_403 = tpu.vector_load %arg6[%get3A_400, %get3A_401, %get3A_402] {strides = array<i32>} : memref<4x200x64xf32, #tpu.memory_space<vmem>>, vector<1x1x16xf32>,
        %get3A_404 = vector.shape_cast %get3A_403 : vector<1x1x16xf32> to vector<16xf32>
        %add3A_405 = arith.addf %add3A_373, %get3A_404 : vector<16xf32>
        %get3A_406 = arith.constant 3 : i32
        %get3A_407 = arith.index_cast %get3A_406 : i32 to index
        %get3A_408 = arith.index_cast %add3A_391 : i32 to index
        %get3A_409 = arith.constant 32 : index
        %get3A_410 = tpu.vector_load %arg6[%get3A_407, %get3A_408, %get3A_409] {strides = array<i32>} : memref<4x200x64xf32, #tpu.memory_space<vmem>>, vector<1x1x16xf32>,
        %get3A_411 = vector.shape_cast %get3A_410 : vector<1x1x16xf32> to vector<16xf32>
        %add3A_412 = arith.addf %add3A_380, %get3A_411 : vector<16xf32>
        %get3A_413 = arith.constant 3 : i32
        %get3A_414 = arith.index_cast %get3A_413 : i32 to index
        %get3A_415 = arith.index_cast %add3A_391 : i32 to index
        %get3A_416 = arith.constant 48 : index
        %get3A_417 = tpu.vector_load %arg6[%get3A_414, %get3A_415, %get3A_416] {strides = array<i32>} : memref<4x200x64xf32, #tpu.memory_space<vmem>>, vector<1x1x16xf32>,
        %get3A_418 = vector.shape_cast %get3A_417 : vector<1x1x16xf32> to vector<16xf32>
        %add3A_419 = arith.addf %add3A_387, %get3A_418 : vector<16xf32>
        %mul3A_420 = arith.constant 8 : i32
        %mul3A_421 = arith.muli %scan3A_352, %mul3A_420 : i32
        %add3A_422 = arith.constant 2 : i32
        %add3A_423 = arith.addi %mul3A_421, %add3A_422 : i32
        %get3A_424 = arith.constant 3 : i32
        %get3A_425 = arith.index_cast %get3A_424 : i32 to index
        %get3A_426 = arith.index_cast %add3A_423 : i32 to index
        %get3A_427 = arith.constant 0 : index
        %get3A_428 = tpu.vector_load %arg6[%get3A_425, %get3A_426, %get3A_427] {strides = array<i32>} : memref<4x200x64xf32, #tpu.memory_space<vmem>>, vector<1x1x16xf32>,
        %get3A_429 = vector.shape_cast %get3A_428 : vector<1x1x16xf32> to vector<16xf32>
        %add3A_430 = arith.addf %add3A_398, %get3A_429 : vector<16xf32>
        %get3A_431 = arith.constant 3 : i32
        %get3A_432 = arith.index_cast %get3A_431 : i32 to index
        %get3A_433 = arith.index_cast %add3A_423 : i32 to index
        %get3A_434 = arith.constant 16 : index
        %get3A_435 = tpu.vector_load %arg6[%get3A_432, %get3A_433, %get3A_434] {strides = array<i32>} : memref<4x200x64xf32, #tpu.memory_space<vmem>>, vector<1x1x16xf32>,
        %get3A_436 = vector.shape_cast %get3A_435 : vector<1x1x16xf32> to vector<16xf32>
        %add3A_437 = arith.addf %add3A_405, %get3A_436 : vector<16xf32>
        %get3A_438 = arith.constant 3 : i32
        %get3A_439 = arith.index_cast %get3A_438 : i32 to index
        %get3A_440 = arith.index_cast %add3A_423 : i32 to index
        %get3A_441 = arith.constant 32 : index
        %get3A_442 = tpu.vector_load %arg6[%get3A_439, %get3A_440, %get3A_441] {strides = array<i32>} : memref<4x200x64xf32, #tpu.memory_space<vmem>>, vector<1x1x16xf32>,
        %get3A_443 = vector.shape_cast %get3A_442 : vector<1x1x16xf32> to vector<16xf32>
        %add3A_444 = arith.addf %add3A_412, %get3A_443 : vector<16xf32>
        %get3A_445 = arith.constant 3 : i32
        %get3A_446 = arith.index_cast %get3A_445 : i32 to index
        %get3A_447 = arith.index_cast %add3A_423 : i32 to index
        %get3A_448 = arith.constant 48 : index
        %get3A_449 = tpu.vector_load %arg6[%get3A_446, %get3A_447, %get3A_448] {strides = array<i32>} : memref<4x200x64xf32, #tpu.memory_space<vmem>>, vector<1x1x16xf32>,
        %get3A_450 = vector.shape_cast %get3A_449 : vector<1x1x16xf32> to vector<16xf32>
        %add3A_451 = arith.addf %add3A_419, %get3A_450 : vector<16xf32>
        %mul3A_452 = arith.constant 8 : i32
        %mul3A_453 = arith.muli %scan3A_352, %mul3A_452 : i32
        %add3A_454 = arith.constant 3 : i32
        %add3A_455 = arith.addi %mul3A_453, %add3A_454 : i32
        %get3A_456 = arith.constant 3 : i32
        %get3A_457 = arith.index_cast %get3A_456 : i32 to index
        %get3A_458 = arith.index_cast %add3A_455 : i32 to index
        %get3A_459 = arith.constant 0 : index
        %get3A_460 = tpu.vector_load %arg6[%get3A_457, %get3A_458, %get3A_459] {strides = array<i32>} : memref<4x200x64xf32, #tpu.memory_space<vmem>>, vector<1x1x16xf32>,
        %get3A_461 = vector.shape_cast %get3A_460 : vector<1x1x16xf32> to vector<16xf32>
        %add3A_462 = arith.addf %add3A_430, %get3A_461 : vector<16xf32>
        %get3A_463 = arith.constant 3 : i32
        %get3A_464 = arith.index_cast %get3A_463 : i32 to index
        %get3A_465 = arith.index_cast %add3A_455 : i32 to index
        %get3A_466 = arith.constant 16 : index
        %get3A_467 = tpu.vector_load %arg6[%get3A_464, %get3A_465, %get3A_466] {strides = array<i32>} : memref<4x200x64xf32, #tpu.memory_space<vmem>>, vector<1x1x16xf32>,
        %get3A_468 = vector.shape_cast %get3A_467 : vector<1x1x16xf32> to vector<16xf32>
        %add3A_469 = arith.addf %add3A_437, %get3A_468 : vector<16xf32>
        %get3A_470 = arith.constant 3 : i32
        %get3A_471 = arith.index_cast %get3A_470 : i32 to index
        %get3A_472 = arith.index_cast %add3A_455 : i32 to index
        %get3A_473 = arith.constant 32 : index
        %get3A_474 = tpu.vector_load %arg6[%get3A_471, %get3A_472, %get3A_473] {strides = array<i32>} : memref<4x200x64xf32, #tpu.memory_space<vmem>>, vector<1x1x16xf32>,
        %get3A_475 = vector.shape_cast %get3A_474 : vector<1x1x16xf32> to vector<16xf32>
        %add3A_476 = arith.addf %add3A_444, %get3A_475 : vector<16xf32>
        %get3A_477 = arith.constant 3 : i32
        %get3A_478 = arith.index_cast %get3A_477 : i32 to index
        %get3A_479 = arith.index_cast %add3A_455 : i32 to index
        %get3A_480 = arith.constant 48 : index
        %get3A_481 = tpu.vector_load %arg6[%get3A_478, %get3A_479, %get3A_480] {strides = array<i32>} : memref<4x200x64xf32, #tpu.memory_space<vmem>>, vector<1x1x16xf32>,
        %get3A_482 = vector.shape_cast %get3A_481 : vector<1x1x16xf32> to vector<16xf32>
        %add3A_483 = arith.addf %add3A_451, %get3A_482 : vector<16xf32>
        %mul3A_484 = arith.constant 8 : i32
        %mul3A_485 = arith.muli %scan3A_352, %mul3A_484 : i32
        %add3A_486 = arith.constant 4 : i32
        %add3A_487 = arith.addi %mul3A_485, %add3A_486 : i32
        %get3A_488 = arith.constant 3 : i32
        %get3A_489 = arith.index_cast %get3A_488 : i32 to index
        %get3A_490 = arith.index_cast %add3A_487 : i32 to index
        %get3A_491 = arith.constant 0 : index
        %get3A_492 = tpu.vector_load %arg6[%get3A_489, %get3A_490, %get3A_491] {strides = array<i32>} : memref<4x200x64xf32, #tpu.memory_space<vmem>>, vector<1x1x16xf32>,
        %get3A_493 = vector.shape_cast %get3A_492 : vector<1x1x16xf32> to vector<16xf32>
        %add3A_494 = arith.addf %add3A_462, %get3A_493 : vector<16xf32>
        %get3A_495 = arith.constant 3 : i32
        %get3A_496 = arith.index_cast %get3A_495 : i32 to index
        %get3A_497 = arith.index_cast %add3A_487 : i32 to index
        %get3A_498 = arith.constant 16 : index
        %get3A_499 = tpu.vector_load %arg6[%get3A_496, %get3A_497, %get3A_498] {strides = array<i32>} : memref<4x200x64xf32, #tpu.memory_space<vmem>>, vector<1x1x16xf32>,
        %get3A_500 = vector.shape_cast %get3A_499 : vector<1x1x16xf32> to vector<16xf32>
        %add3A_501 = arith.addf %add3A_469, %get3A_500 : vector<16xf32>
        %get3A_502 = arith.constant 3 : i32
        %get3A_503 = arith.index_cast %get3A_502 : i32 to index
        %get3A_504 = arith.index_cast %add3A_487 : i32 to index
        %get3A_505 = arith.constant 32 : index
        %get3A_506 = tpu.vector_load %arg6[%get3A_503, %get3A_504, %get3A_505] {strides = array<i32>} : memref<4x200x64xf32, #tpu.memory_space<vmem>>, vector<1x1x16xf32>,
        %get3A_507 = vector.shape_cast %get3A_506 : vector<1x1x16xf32> to vector<16xf32>
        %add3A_508 = arith.addf %add3A_476, %get3A_507 : vector<16xf32>
        %get3A_509 = arith.constant 3 : i32
        %get3A_510 = arith.index_cast %get3A_509 : i32 to index
        %get3A_511 = arith.index_cast %add3A_487 : i32 to index
        %get3A_512 = arith.constant 48 : index
        %get3A_513 = tpu.vector_load %arg6[%get3A_510, %get3A_511, %get3A_512] {strides = array<i32>} : memref<4x200x64xf32, #tpu.memory_space<vmem>>, vector<1x1x16xf32>,
        %get3A_514 = vector.shape_cast %get3A_513 : vector<1x1x16xf32> to vector<16xf32>
        %add3A_515 = arith.addf %add3A_483, %get3A_514 : vector<16xf32>
        %mul3A_516 = arith.constant 8 : i32
        %mul3A_517 = arith.muli %scan3A_352, %mul3A_516 : i32
        %add3A_518 = arith.constant 5 : i32
        %add3A_519 = arith.addi %mul3A_517, %add3A_518 : i32
        %get3A_520 = arith.constant 3 : i32
        %get3A_521 = arith.index_cast %get3A_520 : i32 to index
        %get3A_522 = arith.index_cast %add3A_519 : i32 to index
        %get3A_523 = arith.constant 0 : index
        %get3A_524 = tpu.vector_load %arg6[%get3A_521, %get3A_522, %get3A_523] {strides = array<i32>} : memref<4x200x64xf32, #tpu.memory_space<vmem>>, vector<1x1x16xf32>,
        %get3A_525 = vector.shape_cast %get3A_524 : vector<1x1x16xf32> to vector<16xf32>
        %add3A_526 = arith.addf %add3A_494, %get3A_525 : vector<16xf32>
        %get3A_527 = arith.constant 3 : i32
        %get3A_528 = arith.index_cast %get3A_527 : i32 to index
        %get3A_529 = arith.index_cast %add3A_519 : i32 to index
        %get3A_530 = arith.constant 16 : index
        %get3A_531 = tpu.vector_load %arg6[%get3A_528, %get3A_529, %get3A_530] {strides = array<i32>} : memref<4x200x64xf32, #tpu.memory_space<vmem>>, vector<1x1x16xf32>,
        %get3A_532 = vector.shape_cast %get3A_531 : vector<1x1x16xf32> to vector<16xf32>
        %add3A_533 = arith.addf %add3A_501, %get3A_532 : vector<16xf32>
        %get3A_534 = arith.constant 3 : i32
        %get3A_535 = arith.index_cast %get3A_534 : i32 to index
        %get3A_536 = arith.index_cast %add3A_519 : i32 to index
        %get3A_537 = arith.constant 32 : index
        %get3A_538 = tpu.vector_load %arg6[%get3A_535, %get3A_536, %get3A_537] {strides = array<i32>} : memref<4x200x64xf32, #tpu.memory_space<vmem>>, vector<1x1x16xf32>,
        %get3A_539 = vector.shape_cast %get3A_538 : vector<1x1x16xf32> to vector<16xf32>
        %add3A_540 = arith.addf %add3A_508, %get3A_539 : vector<16xf32>
        %get3A_541 = arith.constant 3 : i32
        %get3A_542 = arith.index_cast %get3A_541 : i32 to index
        %get3A_543 = arith.index_cast %add3A_519 : i32 to index
        %get3A_544 = arith.constant 48 : index
        %get3A_545 = tpu.vector_load %arg6[%get3A_542, %get3A_543, %get3A_544] {strides = array<i32>} : memref<4x200x64xf32, #tpu.memory_space<vmem>>, vector<1x1x16xf32>,
        %get3A_546 = vector.shape_cast %get3A_545 : vector<1x1x16xf32> to vector<16xf32>
        %add3A_547 = arith.addf %add3A_515, %get3A_546 : vector<16xf32>
        %mul3A_548 = arith.constant 8 : i32
        %mul3A_549 = arith.muli %scan3A_352, %mul3A_548 : i32
        %add3A_550 = arith.constant 6 : i32
        %add3A_551 = arith.addi %mul3A_549, %add3A_550 : i32
        %get3A_552 = arith.constant 3 : i32
        %get3A_553 = arith.index_cast %get3A_552 : i32 to index
        %get3A_554 = arith.index_cast %add3A_551 : i32 to index
        %get3A_555 = arith.constant 0 : index
        %get3A_556 = tpu.vector_load %arg6[%get3A_553, %get3A_554, %get3A_555] {strides = array<i32>} : memref<4x200x64xf32, #tpu.memory_space<vmem>>, vector<1x1x16xf32>,
        %get3A_557 = vector.shape_cast %get3A_556 : vector<1x1x16xf32> to vector<16xf32>
        %add3A_558 = arith.addf %add3A_526, %get3A_557 : vector<16xf32>
        %get3A_559 = arith.constant 3 : i32
        %get3A_560 = arith.index_cast %get3A_559 : i32 to index
        %get3A_561 = arith.index_cast %add3A_551 : i32 to index
        %get3A_562 = arith.constant 16 : index
        %get3A_563 = tpu.vector_load %arg6[%get3A_560, %get3A_561, %get3A_562] {strides = array<i32>} : memref<4x200x64xf32, #tpu.memory_space<vmem>>, vector<1x1x16xf32>,
        %get3A_564 = vector.shape_cast %get3A_563 : vector<1x1x16xf32> to vector<16xf32>
        %add3A_565 = arith.addf %add3A_533, %get3A_564 : vector<16xf32>
        %get3A_566 = arith.constant 3 : i32
        %get3A_567 = arith.index_cast %get3A_566 : i32 to index
        %get3A_568 = arith.index_cast %add3A_551 : i32 to index
        %get3A_569 = arith.constant 32 : index
        %get3A_570 = tpu.vector_load %arg6[%get3A_567, %get3A_568, %get3A_569] {strides = array<i32>} : memref<4x200x64xf32, #tpu.memory_space<vmem>>, vector<1x1x16xf32>,
        %get3A_571 = vector.shape_cast %get3A_570 : vector<1x1x16xf32> to vector<16xf32>
        %add3A_572 = arith.addf %add3A_540, %get3A_571 : vector<16xf32>
        %get3A_573 = arith.constant 3 : i32
        %get3A_574 = arith.index_cast %get3A_573 : i32 to index
        %get3A_575 = arith.index_cast %add3A_551 : i32 to index
        %get3A_576 = arith.constant 48 : index
        %get3A_577 = tpu.vector_load %arg6[%get3A_574, %get3A_575, %get3A_576] {strides = array<i32>} : memref<4x200x64xf32, #tpu.memory_space<vmem>>, vector<1x1x16xf32>,
        %get3A_578 = vector.shape_cast %get3A_577 : vector<1x1x16xf32> to vector<16xf32>
        %add3A_579 = arith.addf %add3A_547, %get3A_578 : vector<16xf32>
        %mul3A_580 = arith.constant 8 : i32
        %mul3A_581 = arith.muli %scan3A_352, %mul3A_580 : i32
        %add3A_582 = arith.constant 7 : i32
        %add3A_583 = arith.addi %mul3A_581, %add3A_582 : i32
        %get3A_584 = arith.constant 3 : i32
        %get3A_585 = arith.index_cast %get3A_584 : i32 to index
        %get3A_586 = arith.index_cast %add3A_583 : i32 to index
        %get3A_587 = arith.constant 0 : index
        %get3A_588 = tpu.vector_load %arg6[%get3A_585, %get3A_586, %get3A_587] {strides = array<i32>} : memref<4x200x64xf32, #tpu.memory_space<vmem>>, vector<1x1x16xf32>,
        %get3A_589 = vector.shape_cast %get3A_588 : vector<1x1x16xf32> to vector<16xf32>
        %add3A_590 = arith.addf %add3A_558, %get3A_589 : vector<16xf32>
        %get3A_591 = arith.constant 3 : i32
        %get3A_592 = arith.index_cast %get3A_591 : i32 to index
        %get3A_593 = arith.index_cast %add3A_583 : i32 to index
        %get3A_594 = arith.constant 16 : index
        %get3A_595 = tpu.vector_load %arg6[%get3A_592, %get3A_593, %get3A_594] {strides = array<i32>} : memref<4x200x64xf32, #tpu.memory_space<vmem>>, vector<1x1x16xf32>,
        %get3A_596 = vector.shape_cast %get3A_595 : vector<1x1x16xf32> to vector<16xf32>
        %add3A_597 = arith.addf %add3A_565, %get3A_596 : vector<16xf32>
        %get3A_598 = arith.constant 3 : i32
        %get3A_599 = arith.index_cast %get3A_598 : i32 to index
        %get3A_600 = arith.index_cast %add3A_583 : i32 to index
        %get3A_601 = arith.constant 32 : index
        %get3A_602 = tpu.vector_load %arg6[%get3A_599, %get3A_600, %get3A_601] {strides = array<i32>} : memref<4x200x64xf32, #tpu.memory_space<vmem>>, vector<1x1x16xf32>,
        %get3A_603 = vector.shape_cast %get3A_602 : vector<1x1x16xf32> to vector<16xf32>
        %add3A_604 = arith.addf %add3A_572, %get3A_603 : vector<16xf32>
        %get3A_605 = arith.constant 3 : i32
        %get3A_606 = arith.index_cast %get3A_605 : i32 to index
        %get3A_607 = arith.index_cast %add3A_583 : i32 to index
        %get3A_608 = arith.constant 48 : index
        %get3A_609 = tpu.vector_load %arg6[%get3A_606, %get3A_607, %get3A_608] {strides = array<i32>} : memref<4x200x64xf32, #tpu.memory_space<vmem>>, vector<1x1x16xf32>,
        %get3A_610 = vector.shape_cast %get3A_609 : vector<1x1x16xf32> to vector<16xf32>
        %add3A_611 = arith.addf %add3A_579, %get3A_610 : vector<16xf32>
        scf.yield %add3A_590, %add3A_597, %add3A_604, %add3A_611 : vector<16xf32>, vector<16xf32>, vector<16xf32>, vector<16xf32>
      }
      %scan3A_323 = arith.constant 25 : i32
      %mul3A_324 = vector.broadcast %scan3A_74 : f32 to vector<16xf32>
      %mul3A_325 = arith.mulf %scan3A_322#0, %mul3A_324 : vector<16xf32>
      %swap3A_326 = arith.index_cast %add3A_284 : i32 to index
      %swap3A_327 = arith.constant 0 : index
      %swap3A_328 = tpu.vector_load %arg7[%swap3A_326, %swap3A_327] {strides = array<i32>} : memref<128x64xf32, #tpu.memory_space<vmem>>, vector<1x16xf32>,
      %swap3A_329 = vector.shape_cast %swap3A_328 : vector<1x16xf32> to vector<16xf32>
      %swap3A_330 = vector.shape_cast %mul3A_325 : vector<16xf32> to vector<1x16xf32>
      tpu.vector_store %arg7[%swap3A_326, %swap3A_327], %swap3A_330 {strides = array<i32>} : memref<128x64xf32, #tpu.memory_space<vmem>>, vector<1x16xf32>,
      %mul3A_331 = vector.broadcast %scan3A_74 : f32 to vector<16xf32>
      %mul3A_332 = arith.mulf %scan3A_322#1, %mul3A_331 : vector<16xf32>
      %swap3A_333 = arith.index_cast %add3A_284 : i32 to index
      %swap3A_334 = arith.constant 16 : index
      %swap3A_335 = tpu.vector_load %arg7[%swap3A_333, %swap3A_334] {strides = array<i32>} : memref<128x64xf32, #tpu.memory_space<vmem>>, vector<1x16xf32>,
      %swap3A_336 = vector.shape_cast %swap3A_335 : vector<1x16xf32> to vector<16xf32>
      %swap3A_337 = vector.shape_cast %mul3A_332 : vector<16xf32> to vector<1x16xf32>
      tpu.vector_store %arg7[%swap3A_333, %swap3A_334], %swap3A_337 {strides = array<i32>} : memref<128x64xf32, #tpu.memory_space<vmem>>, vector<1x16xf32>,
      %mul3A_338 = vector.broadcast %scan3A_74 : f32 to vector<16xf32>
      %mul3A_339 = arith.mulf %scan3A_322#2, %mul3A_338 : vector<16xf32>
      %swap3A_340 = arith.index_cast %add3A_284 : i32 to index
      %swap3A_341 = arith.constant 32 : index
      %swap3A_342 = tpu.vector_load %arg7[%swap3A_340, %swap3A_341] {strides = array<i32>} : memref<128x64xf32, #tpu.memory_space<vmem>>, vector<1x16xf32>,
      %swap3A_343 = vector.shape_cast %swap3A_342 : vector<1x16xf32> to vector<16xf32>
      %swap3A_344 = vector.shape_cast %mul3A_339 : vector<16xf32> to vector<1x16xf32>
      tpu.vector_store %arg7[%swap3A_340, %swap3A_341], %swap3A_344 {strides = array<i32>} : memref<128x64xf32, #tpu.memory_space<vmem>>, vector<1x16xf32>,
      %mul3A_345 = vector.broadcast %scan3A_74 : f32 to vector<16xf32>
      %mul3A_346 = arith.mulf %scan3A_322#3, %mul3A_345 : vector<16xf32>
      %swap3A_347 = arith.index_cast %add3A_284 : i32 to index
      %swap3A_348 = arith.constant 48 : index
      %swap3A_349 = tpu.vector_load %arg7[%swap3A_347, %swap3A_348] {strides = array<i32>} : memref<128x64xf32, #tpu.memory_space<vmem>>, vector<1x16xf32>,
      %swap3A_350 = vector.shape_cast %swap3A_349 : vector<1x16xf32> to vector<16xf32>
      %swap3A_351 = vector.shape_cast %mul3A_346 : vector<16xf32> to vector<1x16xf32>
      tpu.vector_store %arg7[%swap3A_347, %swap3A_348], %swap3A_351 {strides = array<i32>} : memref<128x64xf32, #tpu.memory_space<vmem>>, vector<1x16xf32>,
    }
    %scan3A_79 = arith.constant 32 : i32
    "tpu.region"() ({
      %run_scoped3A = tpu.sem_alloc : memref<!tpu.dma_semaphore, #tpu.memory_space<semaphore_mem>>
      %dma_start3A_80 = arith.constant 0 : i32
      %dma_start3A_81 = tpu.memref_slice %arg4[%mul3A_2, %dma_start3A_80] : memref<4096x64xf32, #tpu.memory_space<hbm>> -> memref<128x64xf32, #tpu.memory_space<hbm>>
      %dma_start3A_82 = arith.constant 0 : i32
      %dma_start3A_83 = tpu.memref_slice %arg4[%mul3A_2, %dma_start3A_82] : memref<4096x64xf32, #tpu.memory_space<hbm>> -> memref<128x64xf32, #tpu.memory_space<hbm>>
      tpu.enqueue_dma source(%arg7 : memref<128x64xf32, #tpu.memory_space<vmem>>) target(%dma_start3A_83 : memref<128x64xf32, #tpu.memory_space<hbm>>) target_semaphore(%run_scoped3A : memref<!tpu.dma_semaphore, #tpu.memory_space<semaphore_mem>>)
      %dma_wait3A = arith.constant 0 : i32
      %dma_wait3A_84 = tpu.memref_slice %arg4[%mul3A_2, %dma_wait3A] : memref<4096x64xf32, #tpu.memory_space<hbm>> -> memref<128x64xf32, #tpu.memory_space<hbm>>
      %dma_wait3A_85 = arith.constant 0 : i32
      %dma_wait3A_86 = tpu.memref_slice %arg4[%mul3A_2, %dma_wait3A_85] : memref<4096x64xf32, #tpu.memory_space<hbm>> -> memref<128x64xf32, #tpu.memory_space<hbm>>
      tpu.wait_dma2 semaphore(%run_scoped3A : memref<!tpu.dma_semaphore, #tpu.memory_space<semaphore_mem>>) src(%arg7 : memref<128x64xf32, #tpu.memory_space<vmem>>) dst(%dma_wait3A_86 : memref<128x64xf32, #tpu.memory_space<hbm>>)
      tpu.yield
    }) : () -> ()
    return
  }
}

</mosaic_0001>

<sc_bundles>
// kernel: _pool.3.cloned.1.call-start
scs
__scs_entry_jumppad:
0x0: {  	(pc) =	sbr.rel $0x88, $3  }
0x1: {  	(tag) =	ssettag $0x0;
	lr =	simm.s32 $0x1  }
0x2: {  	[smem:$0x3F9F] =	sst lr;
	_ =	strace $0xD0000000  }
0x3: {  	_ = 	snop  }
0x4: {  	_ = 	snop  }
0x5: {  	_ = 	snop  }
0x6: {  	_ = 	snop  }
0x7: {  	_ = 	snop  }
__scs_overlays_trampoline_lowered:
0x8: {  	[smem:$0x3FAE] =	sst s0  }
0x9: {  	[smem:$0x3FAF] =	sst s1  }
0xa: {  	[smem:$0x3FB0] =	sst s2  }
0xb: {  	[smem:$0x3FB1] =	sst s3  }
0xc: {  	[smem:$0x3FB2] =	sst s4  }
0xd: {  	[smem:$0x3FB3] =	sst s5  }
0xe: {  	[smem:$0x3FB4] =	sst s6  }
0xf: {  	[smem:$0x3FB5] =	sst s7  }
0x10: {  	[smem:$0x3FB6] =	sst s8  }
0x11: {  	[smem:$0x3FB7] =	sst s9;
	s0 =	simm.s32 @!p0 $0x0  }
0x12: {  	s1 =	sld [smem:$0x3F9D];
	s0 =	simm.s32 @p0 $0x1  }
0x13: {  	[smem:$0x3FB8] =	sst s0;
	s0 =	simm.s32 @!p1 $0x0  }
0x14: {  	s2 =	sld [smem:$0x3F9C];
	s0 =	simm.s32 @p1 $0x1  }
0x15: {  	[smem:$0x3FB9] =	sst s0;
	s0 =	simm.s32 @!p2 $0x0  }
0x16: {  	s3 =	sld [smem:$0x3FDB];
	s0 =	simm.s32 @p2 $0x1  }
0x17: {  	s4 =	simm.s32 $0x1BF5;
	[smem:$0x3FBB] =	sst s0  }
0x18: {  	s0 =	sld [smem:$0x3F9E];
	_ =	swait.ge [sflag:s4], $0x0  }
0x19: {  	s7 =	sld [smem:$0x3F9F]  }
0x1a: {  	s8 =	sadd.s32 $0xFFFFE003, lr  }
0x1b: {  	s9 =	sadd.s32 $0xFFFFFEF7, lr;
	s5 =	simm.s32 $0xFFFFFFFF;
	p2 =	slt.u32 s8, $0xFFFFF086  }
0x1c: {  	p1 =	slt.u32 s9, $0xF7A;
	s5 =	simm.s32 @!p2 $0x0  }
0x1d: {  	s5 =	simm.s32 @p1 $0x1;
	p0 =	seq.s32 s7, s2  }
0x1e: {  	s7 =	smul.u32 @!p0 $0xF7A, s2;
	p2 =	seq.s32 @!p0 s5, $0x0  }
0x1f: {  	s9 =	smul.u32 $0xF7A, s1;
	s8 =	simm.s32 @!p0 $0x1BF5;
	p2 =	por !p2, p0  }
0x20: {  	[sflag:s8] =	ssyncset.s32 @!p0 $0xFFFFF086;
	s6 =	sadd.s32 @!p0 s3, s7;
	s7 =	simm.s32 @!p0 $0x108  }
0x21: {  	s3 =	sadd.s32 s3, s9;
	s6 =	sadd.s32 @!p0 $0x88, s6;
	s7 =	simm.s32 @p2 $0x1082  }
0x22: {  	[simem:s7], [sflag:s8] =	dma.local @!p0 [hbm:s6], $0xF7A  }
0x23: {  	s9 =	sor.u32 $0xD0000000, s2;
	s6 =	simm.s32 $0x108;
	_ =	swait.ge @!p0 [sflag:s8], $0x0  }
0x24: {  	s3 =	sadd.s32 $0x88, s3;
	s6 =	simm.s32 @!p1 $0x1082;
	[sflag:s4] =	ssyncset.s32 $0xFFFFF086  }
0x25: {  	[simem:s6], [sflag:s4] =	dma.local [hbm:s3], $0xF7A  }
0x26: {  	[smem:$0x3F9F] =	sst s1;
	(tag) =	ssettag s2;
	_ =	strace s9  }
0x27: {  	s1 =	sld [smem:$0x3FAF]  }
0x28: {  	s2 =	sld [smem:$0x3FB0]  }
0x29: {  	s4 =	sld [smem:$0x3FB2]  }
0x2a: {  	p0 =	seq.s32 s5, $0x0;
	s5 =	sld [smem:$0x3FB3]  }
0x2b: {  	s6 =	sld [smem:$0x3FB4]  }
0x2c: {  	s7 =	sld [smem:$0x3FB5]  }
0x2d: {  	s3 =	simm.s32 $0x108;
	s8 =	sld [smem:$0x3FB6]  }
0x2e: {  	s3 =	simm.s32 @!p0 $0x1082;
	s9 =	sld [smem:$0x3FB7]  }
0x2f: {  	lr =	sadd.s32 s0, s3;
	s0 =	sld [smem:$0x3FAE]  }
0x30: {  	s3 =	sld [smem:$0x3FB1]  }
0x31: {  	[smem:$0x3FBA] =	sst s10  }
0x32: {  	s10 =	sld [smem:$0x3FB8];
	_ =	sdelay $0x3  }
0x33: {  	p0 =	seq.s32 s10, $0x1;
	s10 =	sld [smem:$0x3FBA];
	_ =	sdelay $0x3  }
0x34: {  	[smem:$0x3FBA] =	sst s10  }
0x35: {  	s10 =	sld [smem:$0x3FB9];
	_ =	sdelay $0x3  }
0x36: {  	p1 =	seq.s32 s10, $0x1;
	s10 =	sld [smem:$0x3FBA];
	_ =	sdelay $0x3  }
0x37: {  	[smem:$0x3FBA] =	sst s10  }
0x38: {  	s10 =	sld [smem:$0x3FBB]  }
0x39: {  	_ = 	snop;
	(pc) =	sbr.ind lr, $3  }
0x3a: {  	_ = 	snop  }
0x3b: {  	_ = 	snop  }
0x3c: {  	p2 =	seq.s32 s10, $0x1;
	s10 =	sld [smem:$0x3FBA]  }
0x3d: {  	_ =	shalt  }
0x3e: {  	_ =	shalt  }
0x3f: {  	_ =	shalt  }
0x40: {  	_ =	shalt  }
0x41: {  	_ =	shalt  }
0x42: {  	_ =	shalt  }
0x43: {  	_ =	shalt  }
0x44: {  	_ =	shalt  }
0x45: {  	_ =	shalt  }
0x46: {  	_ =	shalt  }
0x47: {  	_ =	shalt  }
0x48: {  	_ =	shalt  }
0x49: {  	_ =	shalt  }
0x4a: {  	_ =	shalt  }
0x4b: {  	_ =	shalt  }
0x4c: {  	_ =	shalt  }
0x4d: {  	_ =	shalt  }
0x4e: {  	_ =	shalt  }
0x4f: {  	_ =	shalt  }
0x50: {  	_ =	shalt  }
0x51: {  	_ =	shalt  }
0x52: {  	_ =	shalt  }
0x53: {  	_ =	shalt  }
0x54: {  	_ =	shalt  }
0x55: {  	_ =	shalt  }
0x56: {  	_ =	shalt  }
0x57: {  	_ =	shalt  }
0x58: {  	_ =	shalt  }
0x59: {  	_ =	shalt  }
0x5a: {  	_ =	shalt  }
0x5b: {  	_ =	shalt  }
0x5c: {  	_ =	shalt  }
0x5d: {  	_ =	shalt  }
0x5e: {  	_ =	shalt  }
0x5f: {  	_ =	shalt  }
0x60: {  	_ =	shalt  }
0x61: {  	_ =	shalt  }
0x62: {  	_ =	shalt  }
0x63: {  	_ =	shalt  }
0x64: {  	_ =	shalt  }
0x65: {  	_ =	shalt  }
0x66: {  	_ =	shalt  }
0x67: {  	_ =	shalt  }
0x68: {  	_ =	shalt  }
0x69: {  	_ =	shalt  }
0x6a: {  	_ =	shalt  }
0x6b: {  	_ =	shalt  }
0x6c: {  	_ =	shalt  }
0x6d: {  	_ =	shalt  }
0x6e: {  	_ =	shalt  }
0x6f: {  	_ =	shalt  }
0x70: {  	_ =	shalt  }
0x71: {  	_ =	shalt  }
0x72: {  	_ =	shalt  }
0x73: {  	_ =	shalt  }
0x74: {  	_ =	shalt  }
0x75: {  	_ =	shalt  }
0x76: {  	_ =	shalt  }
0x77: {  	_ =	shalt  }
0x78: {  	_ =	shalt  }
0x79: {  	_ =	shalt  }
0x7a: {  	_ =	shalt  }
0x7b: {  	_ =	shalt  }
0x7c: {  	_ =	shalt  }
0x7d: {  	_ =	shalt  }
0x7e: {  	_ =	shalt  }
0x7f: {  	_ =	shalt  }
0x80: {  	_ =	shalt  }
0x81: {  	_ =	shalt  }
0x82: {  	_ =	shalt  }
0x83: {  	_ =	shalt  }
0x84: {  	_ =	shalt  }
0x85: {  	_ =	shalt  }
0x86: {  	_ =	shalt  }
0x87: {  	_ =	shalt  }
.Lfunc_end0:
.L_simem_size_0:
called_computation_lowered:
.L_overlay_start_0:
0x88: {  	s2 =	sld [smem:$0x3FD9]  }
0x89: {  	s3 =	sld [smem:$0x3FFE];
	_ =	sdelay $0x1  }
0x8a: {  	s1 =	srdreg.scid  }
0x8b: {  	s0 =	sand.u32 $0x1, s1  }
0x8c: {  	s17 =	sshll.u32 s0, $0xA;
	s2 =	sadd.s32 s3, s2  }
0x8d: {  	s2 =	sadd.s32 s2, s17  }
0x8e: {  	[smem:$0x3FC6] =	sst s2  }
0x8f: {  	_ = 	snop  }
0x90: {  	s2 =	sld [smem:$0x3FD0];
	(tm) =	ssettm $0x1  }
0x91: {  	s18 =	sld [smem:$0x3FFB];
	_ =	sdelay $0x3  }
0x92: {  	_ =	strace s18  }
0x93: {  	s3 =	sld [smem:$0x3FFC];
	_ =	sdelay $0x3  }
0x94: {  	_ =	strace s3  }
0x95: {  	s3 =	sld [smem:$0x3FFD];
	_ =	sdelay $0x3  }
0x96: {  	_ =	strace s3  }
0x97: {  	_ =	strace $0x8FFFFFFF  }
0x98: {  	s19 =	sld [smem:$0x3FDB];
	_ =	sdelay $0x1  }
0x99: {  	s4 =	simm.s32 $_scs_section_size  }
0x9a: {  	s5 =	simm.s32 $_size__tile_overlayer_lowered;
	s6 =	simm.s32 $_tile_overlayer_lowered  }
0x9b: {  	s22 =	simm.s32 $0x1BFF;
	s21 =	sshll.u32 s6, $0x1;
	s3 =	sadd.s32 s4, s19  }
0x9c: {  	s7 =	simm.s32 $0x0;
	s20 =	sshll.u32 s5, $0x1;
	s5 =	sadd.s32 s21, s3  }
0x9d: {  	[timem:s7], [sflag:s22] =	dma.local [hbm:s5], s20  }
0x9e: {  	_ =	swait.ge [sflag:s22], s20  }
0x9f: {  	s4 =	ssub.s32 $0x0, s20;
	[sflag:s22] =	ssyncset.done $0x0  }
0xa0: {  	[sflag:s22] =	ssyncadd.s32 s4;
	_ =	sdelay $0x1  }
0xa1: {  	s23 =	simm.s32 $0x1B8B  }
0xa2: {  	_ =	swait.ge [sflag:s23], $0x1  }
0xa3: {  	[sflag:s23] =	ssyncset.done $0x0  }
0xa4: {  	s25 =	simm.s32 $0x1B8E;
	s24 =	sld [smem:$0x3FFE];
	[sflag:s23] =	ssyncadd.s32 $0xFFFFFFFF  }
0xa5: {  	s26 =	simm.s32 $execute0_lowered;
	[smem:$0x3FD2] =	sst s25  }
0xa6: {  	s5 =	sshll.u32 s26, $0x1;
	_ =	strace $0x80000046;
	[dreg:$0x1] =	wrdreg $0xFFFFFFFF  }
0xa7: {  	s28 =	simm.s32 $_size_execute0_lowered;
	s3 =	sadd.s32 s3, s5;
	[dreg:$0x0] =	wrdreg $0x0  }
0xa8: {  	s5 =	sshll.u32 s28, $0x1;
	[dreg:$0x2] =	wrdreg s3  }
0xa9: {  	[dreg:$0x3] =	wrdreg s5  }
0xaa: {  	[dreg:$0x4] =	wrdreg $0xC0  }
0xab: {  	_ =	task [dreg:s7], $0x5FFFF  }
0xac: {  	[dreg:$0x1] =	wrdreg $0xFFFFFFFF  }
0xad: {  	[dreg:$0x0] =	wrdreg $0x60  }
0xae: {  	[dreg:$0x2] =	wrdreg s24  }
0xaf: {  	[dreg:$0x3] =	wrdreg s2  }
0xb0: {  	[dreg:$0x4] =	wrdreg $0x9  }
0xb1: {  	_ =	task.clear_ibuf [dreg:s7], $0x5FFFF;
	_ =	strace $0x90000046  }
0xb2: {  	s29 =	simm.s32 $0x9;
	_ =	strace $0x80000048  }
0xb3: {  	_ =	swait.ge [sflag:s29], $0x1  }
0xb4: {  	[sflag:s29] =	ssyncadd.s32 $0xFFFFFFFF  }
0xb5: {  	_ =	strace $0x90000048  }
0xb6: {  	_ =	sfence  }
0xb7: {  	s30 =	sld [smem:$0x0];
	_ =	sdelay $0x2  }
0xb8: {  	s31 =	sshll.u32 s1, $0xD;
	s1 =	sshrl.u32 s1, $0x2  }
0xb9: {  	s3 =	sand.u32 $0x4000, s31;
	s1 =	sadd.s32 s1, s30  }
0xba: {  	s0 =	sor.u32 s3, s0;
	s1 =	sshll.u32 s1, $0x11  }
0xbb: {  	s0 =	sor.u32 s1, s0  }
0xbc: {  	s0 =	sadd.s32 $0x8F2B, s0  }
0xbd: {  	[sflag:s0] =	ssyncadd.remote.s32 $0x1  }
0xbe: {  	_ =	sfence.sel $0xFFFF  }
0xbf: {  	[dreg:$0x0] =	wrdreg $0xFFFFFFFF;
	(pc) =	sbr.abs _section_cstart, $3  }
0xc0: {  	[dreg:$0x1] =	wrdreg $0xFFFFFFFF  }
0xc1: {  	_ =	task.clear_ibuf [dreg:s7], $0x2FFFF;
	_ =	strace $0x9FFFFFFF  }
0xc2: {  	(tm) =	ssettm $0x7FFFFFFF  }
0xc3: {  	_ =	shalt  }
tec
execute0_lowered:
.L_overlay_start_1:
0x0: {  	(tag) =	ssettag $0x1  }
0x1: {  	s0 =	srdreg.scid;
	s1 =	rddreg [dreg:$0x0]  }
0x2: {  	s2 =	stileid.u32;
	s5 =	rddreg [dreg:$0x1]  }
0x3: {  	s8 =	simm.s32 $0x68;
	s10 =	simm.s32 $0x60;
	s12 =	simm.s32 $0xC8  }
0x4: {  	s13 =	simm.s32 $0x9600;
	s14 =	simm.s32 $0x130;
	s15 =	simm.s32 $0xB000  }
0x5: {  	s16 =	simm.s32 $0x190;
	s17 =	simm.s32 $0xC800;
	s18 =	simm.s32 $0x1F8  }
0x6: {  	s19 =	simm.s32 $0xE200;
	s20 =	simm.s32 $0xFA00;
	s21 =	simm.s32 $0x11400  }
0x7: {  	s22 =	simm.s32 $0x1;
	s23 =	simm.s32 $0x2;
	s24 =	simm.s32 $0x3  }
0x8: {  	s25 =	simm.s32 $0x4;
	s26 =	simm.s32 $0x12C00;
	s0 =	sand.u32 $0x1, s0  }
0x9: {  	s28 =	simm.s32 $0x0;
	s2 =	sshll.u32 s2, $0x8;
	s3 =	sshll.u32 s0, $0x7  }
0xa: {  	s0 =	ssub.s32 $0x2, s0;
	s4 =	sor.u32 s3, s2;
	s2 =	simm.s32 $0x0  }
0xb: {  	s7 =	sshrl.u32 s0, $0x1;
	s3 =	smul.u32 $0x19, s4;
	[smem:$0x7FF] =	sst s2  }
0xc: {  	s0 =	ssub.s32 s0, s7;
	s31 =	sshll.u32 s4, $0x3;
	s7 =	simm.s32 $0x5  }
0xd: {  	_ =	strace $0x80000047;
	s5 =	sadd.s32 s5, s31;
	s6 =	sadd.s32 s3, s1  }
0xe: {  	s3 =	sadd.s32 $0x190600, s1;
	s4 =	sadd.s32 $0x600, s6;
	s6 =	smax.u32 s0, $0x1  }
.LBB2_1:
0xf: {  	[tilespmem:s2], [sflag:$0x5] =	stream.linear.gather [hbm4b:s4+s2], $0x6400, $0x38;
	[tilespmem:$0x14C00] =	vst v63  }
0x10: {  	_ =	swait.ge [sflag:s7], $0x6400  }
0x11: {  	[sflag:s7] =	ssyncset.done $0x0  }
0x12: {  	s0 =	simm.s32 $0x6400;
	[sflag:s7] =	ssyncadd.s32 $0xFFFF9C00  }
0x13: {  	[tilespmem:s0], [sflag:$0x1] =	stream.indirect.gather [hbm4b:s3+s8], $0x40, s2, s8, $0xb8;
	[tilespmem:$0x14C00] =	vst v63  }
0x14: {  	s31 =	simm.s32 $0x7E00  }
0x15: {  	[tilespmem:s31], [sflag:$0x1] =	stream.indirect.gather [hbm4b:s3+s10], $0x40, s8, s10, $0xb8;
	[tilespmem:$0x14C00] =	vst v63  }
0x16: {  	_ = 	snop  }
0x17: {  	[tilespmem:s13], [sflag:$0x2] =	stream.indirect.gather [hbm4b:s3+s8], $0x40, s12, s8, $0xb8;
	[tilespmem:$0x14C00] =	vst v63  }
0x18: {  	_ = 	snop  }
0x19: {  	[tilespmem:s15], [sflag:$0x2] =	stream.indirect.gather [hbm4b:s3+s10], $0x40, s14, s10, $0xb8;
	[tilespmem:$0x14C00] =	vst v63  }
0x1a: {  	_ = 	snop  }
0x1b: {  	[tilespmem:s17], [sflag:$0x3] =	stream.indirect.gather [hbm4b:s3+s8], $0x40, s16, s8, $0xb8;
	[tilespmem:$0x14C00] =	vst v63  }
0x1c: {  	s29 =	simm.s32 $0x0  }
0x1d: {  	[tilespmem:s19], [sflag:$0x3] =	stream.indirect.gather [hbm4b:s3+s10], $0x40, s18, s10, $0xb8;
	[tilespmem:$0x14C00] =	vst v63  }
.LBB2_2:
0x1e: {  	s30 =	sshllo.u32 s29, $0x2  }
0x1f: {  	s0 =	smul.u32 $0x320, s30;
	_ =	sdelay $0x1  }
0x20: {  	s0 =	sshra.s32 s0, $0x2  }
0x21: {  	[tilespmem:s20], [sflag:$0x4] =	stream.indirect.gather [hbm4b:s3+s8], $0x40, s0, s8, $0xb8;
	[tilespmem:$0x14C00] =	vst v63  }
0x22: {  	s0 =	sadd.s32 $0x68, s0  }
0x23: {  	[tilespmem:s21], [sflag:$0x4] =	stream.indirect.gather [hbm4b:s3+s10], $0x40, s0, s10, $0xb8;
	[tilespmem:$0x14C00] =	vst v63  }
0x24: {  	_ =	swait.ge [sflag:s22], $0x1A00  }
0x25: {  	[sflag:s22] =	ssyncset.done $0x0  }
0x26: {  	[sflag:s22] =	ssyncadd.s32 $0xFFFFE600  }
0x27: {  	_ =	swait.ge [sflag:s22], $0x1800  }
0x28: {  	[sflag:s22] =	ssyncset.done $0x0  }
0x29: {  	s1 =	simm.s32 $0x0;
	[sflag:s22] =	ssyncadd.s32 $0xFFFFE800  }
0x2a: {  	v0 =	vld [tilespmem:s1+$0x65C0]  }
0x2b: {  	v1 =	vld [tilespmem:s1+$0x65D0]  }
0x2c: {  	v2 =	vld [tilespmem:s1+$0x6580]  }
0x2d: {  	v3 =	vld [tilespmem:s1+$0x6590]  }
0x2e: {  	v4 =	vld [tilespmem:s1+$0x6540]  }
0x2f: {  	v5 =	vld [tilespmem:s1+$0x6550]  }
0x30: {  	v6 =	vld [tilespmem:s1+$0x6500]  }
0x31: {  	v7 =	vld [tilespmem:s1+$0x6510]  }
0x32: {  	v9 =	vld [tilespmem:s1+$0x64C0]  }
0x33: {  	v8 =	vld [tilespmem:s1+$0x64D0]  }
0x34: {  	v11 =	vld [tilespmem:s1+$0x6480]  }
0x35: {  	v10 =	vld [tilespmem:s1+$0x6490]  }
0x36: {  	v17 =	vld [tilespmem:s1+$0x6440]  }
0x37: {  	v16 =	vld [tilespmem:s1+$0x6450]  }
0x38: {  	v19 =	vld [tilespmem:s1+$0x6400]  }
0x39: {  	v12 =	vimm.f32 $0.0e+00;
	v20 =	vld [tilespmem:s1+$0x6410]  }
0x3a: {  	v15 =	vimm.f32 $0.0e+00;
	v14 =	vimm.f32 $0.0e+00;
	v13 =	vimm.f32 $0.0e+00;
	s0 =	simm.s32 $0x800;
	v18 =	vld [tilespmem:s1+$0x6420]  }
.LBB2_3:
0x3b: {  	p0 =	sne.s32 s0, $0xC000;
	v21 =	vld [tilespmem:s1+$0x6430]  }
0x3c: {  	v22 =	vld [tilespmem:s1+$0x6460]  }
0x3d: {  	v23 =	vld [tilespmem:s1+$0x6470]  }
0x3e: {  	v24 =	vld [tilespmem:s1+$0x64A0]  }
0x3f: {  	v12 =	vadd.f32 v19, v12;
	v15 =	vadd.f32 v20, v15;
	v19 =	vld [tilespmem:s1+$0x64B0]  }
0x40: {  	v14 =	vadd.f32 v18, v14;
	v13 =	vadd.f32 v21, v13;
	v18 =	vld [tilespmem:s1+$0x64E0]  }
0x41: {  	v12 =	vadd.f32 v17, v12;
	v15 =	vadd.f32 v16, v15;
	v16 =	vld [tilespmem:s1+$0x64F0]  }
0x42: {  	v14 =	vadd.f32 v22, v14;
	v13 =	vadd.f32 v23, v13;
	v17 =	vld [tilespmem:s1+$0x6520]  }
0x43: {  	v11 =	vadd.f32 v11, v12;
	v10 =	vadd.f32 v10, v15;
	v12 =	vld [tilespmem:s1+$0x6530]  }
0x44: {  	v14 =	vadd.f32 v24, v14;
	v13 =	vadd.f32 v19, v13;
	v15 =	vld [tilespmem:s1+$0x6560]  }
0x45: {  	v9 =	vadd.f32 v9, v11;
	v8 =	vadd.f32 v8, v10;
	v10 =	vld [tilespmem:s1+$0x6570]  }
0x46: {  	v11 =	vadd.f32 v18, v14;
	v13 =	vadd.f32 v16, v13;
	v14 =	vld [tilespmem:s1+$0x65A0]  }
0x47: {  	v6 =	vadd.f32 v6, v9;
	v7 =	vadd.f32 v7, v8;
	v8 =	vld [tilespmem:s1+$0x65B0]  }
0x48: {  	v9 =	vadd.f32 v17, v11;
	v11 =	vadd.f32 v12, v13;
	v13 =	vld [tilespmem:s1+$0x65E0]  }
0x49: {  	v4 =	vadd.f32 v4, v6;
	v5 =	vadd.f32 v5, v7;
	v6 =	vld [tilespmem:s1+$0x65F0];
	s1 =	sshra.s32 s0, $0x2  }
0x4a: {  	v9 =	vadd.f32 v15, v9;
	v7 =	vld [tilespmem:s1+$0x65C0];
	v10 =	vadd.f32 v10, v11  }
0x4b: {  	v4 =	vadd.f32 v2, v4;
	v5 =	vadd.f32 v3, v5;
	v11 =	vld [tilespmem:s1+$0x65D0]  }
0x4c: {  	v9 =	vadd.f32 v14, v9;
	v2 =	vld [tilespmem:s1+$0x6580];
	v8 =	vadd.f32 v8, v10  }
0x4d: {  	v12 =	vadd.f32 v0, v4;
	v15 =	vadd.f32 v1, v5;
	v3 =	vld [tilespmem:s1+$0x6590]  }
0x4e: {  	v14 =	vadd.f32 v13, v9;
	v4 =	vld [tilespmem:s1+$0x6540];
	v13 =	vadd.f32 v6, v8  }
0x4f: {  	v5 =	vld [tilespmem:s1+$0x6550];
	v0 =	vmov v7  }
0x50: {  	v6 =	vld [tilespmem:s1+$0x6500];
	v1 =	vmov v11  }
0x51: {  	v7 =	vld [tilespmem:s1+$0x6510]  }
0x52: {  	v9 =	vld [tilespmem:s1+$0x64C0]  }
0x53: {  	v8 =	vld [tilespmem:s1+$0x64D0]  }
0x54: {  	v11 =	vld [tilespmem:s1+$0x6480]  }
0x55: {  	v10 =	vld [tilespmem:s1+$0x6490]  }
.Ltmp0:
0x56: {  	v17 =	vld [tilespmem:s1+$0x6440];
	(pc) =	sbr.rel @p0 .LBB2_3-.Ltmp0, $4  }
0x57: {  	v16 =	vld [tilespmem:s1+$0x6450]  }
0x58: {  	v19 =	vld [tilespmem:s1+$0x6400]  }
0x59: {  	v20 =	vld [tilespmem:s1+$0x6410]  }
0x5a: {  	s0 =	sadd.s32 $0x800, s0;
	v18 =	vld [tilespmem:s1+$0x6420]  }
0x5b: {  	v21 =	vld [tilespmem:s1+$0x6430]  }
0x5c: {  	v22 =	vld [tilespmem:s1+$0x6460]  }
0x5d: {  	v23 =	vld [tilespmem:s1+$0x6470];
	v12 =	vadd.f32 v19, v12  }
0x5e: {  	v19 =	vld [tilespmem:s1+$0x64A0];
	v15 =	vadd.f32 v20, v15  }
0x5f: {  	v20 =	vld [tilespmem:s1+$0x64B0];
	v14 =	vadd.f32 v18, v14;
	v12 =	vadd.f32 v17, v12  }
0x60: {  	v17 =	vld [tilespmem:s1+$0x64E0];
	v13 =	vadd.f32 v21, v13;
	v15 =	vadd.f32 v16, v15  }
0x61: {  	v16 =	vld [tilespmem:s1+$0x64F0];
	v14 =	vadd.f32 v22, v14;
	v11 =	vadd.f32 v11, v12  }
0x62: {  	v12 =	vadd.f32 v23, v13;
	v13 =	vld [tilespmem:s1+$0x6520];
	v10 =	vadd.f32 v10, v15  }
0x63: {  	v15 =	vld [tilespmem:s1+$0x6530];
	v14 =	vadd.f32 v19, v14;
	v9 =	vadd.f32 v9, v11  }
0x64: {  	v11 =	vadd.f32 v20, v12;
	v12 =	vld [tilespmem:s1+$0x6560];
	v8 =	vadd.f32 v8, v10  }
0x65: {  	v10 =	vld [tilespmem:s1+$0x6570];
	v14 =	vadd.f32 v17, v14;
	v6 =	vadd.f32 v6, v9  }
0x66: {  	v9 =	vadd.f32 v16, v11;
	v11 =	vld [tilespmem:s1+$0x65A0];
	v7 =	vadd.f32 v7, v8  }
0x67: {  	v8 =	vld [tilespmem:s1+$0x65B0];
	v13 =	vadd.f32 v13, v14;
	v4 =	vadd.f32 v4, v6  }
0x68: {  	v6 =	vadd.f32 v15, v9;
	v9 =	vld [tilespmem:s1+$0x65E0];
	v5 =	vadd.f32 v5, v7  }
0x69: {  	v7 =	vld [tilespmem:s1+$0x65F0];
	v12 =	vadd.f32 v12, v13;
	v2 =	vadd.f32 v2, v4  }
0x6a: {  	v4 =	vadd.f32 v10, v6;
	v3 =	vadd.f32 v3, v5  }
0x6b: {  	v5 =	vadd.f32 v11, v12;
	v0 =	vadd.f32 v0, v2  }
0x6c: {  	v2 =	vadd.f32 v8, v4;
	v1 =	vadd.f32 v1, v3  }
0x6d: {  	s0 =	sshll.u32 s29, $0x8;
	v3 =	vadd.f32 v9, v5;
	v0 =	vmul.f32 $4.999999890e-03, v0  }
0x6e: {  	p0 =	seq.s32 s29, $0x1F;
	s31 =	sand.u32 $0x3FFFFF00, s0;
	v2 =	vadd.f32 v7, v2;
	v1 =	vmul.f32 $4.999999890e-03, v1  }
0x6f: {  	s0 =	smul.u32 @!p0 $0xC80, s29;
	[tilespmem:s31+$0x12C00] =	vst v0;
	v0 =	vmul.f32 $4.999999890e-03, v3  }
0x70: {  	[tilespmem:s31+$0x12C10] =	vst v1;
	v1 =	vmul.f32 $4.999999890e-03, v2  }
0x71: {  	s1 =	sshra.s32 @!p0 s0, $0x2;
	[tilespmem:s31+$0x12C20] =	vst v0  }
0x72: {  	s9 =	simm.s32 @!p0 $0x68;
	s11 =	simm.s32 @!p0 $0x6400;
	s0 =	sadd.s32 @!p0 $0x320, s1;
	[tilespmem:s31+$0x12C30] =	vst v1  }
0x73: {  	[tilespmem:s11], [sflag:$0x1] =	stream.indirect.gather @!p0 [hbm4b:s3+s9], $0x40, s0, s9, $0xb8;
	[tilespmem:$0x14C00] =	vst v63  }
0x74: {  	s0 =	sadd.s32 @!p0 $0x388, s1;
	s9 =	simm.s32 @!p0 $0x60;
	s11 =	simm.s32 @!p0 $0x7E00  }
0x75: {  	[tilespmem:s11], [sflag:$0x1] =	stream.indirect.gather @!p0 [hbm4b:s3+s9], $0x40, s0, s9, $0xb8;
	[tilespmem:$0x14C00] =	vst v63  }
0x76: {  	_ =	swait.ge [sflag:s23], $0x1A00  }
0x77: {  	[sflag:s23] =	ssyncset.done $0x0  }
0x78: {  	[sflag:s23] =	ssyncadd.s32 $0xFFFFE600  }
0x79: {  	_ =	swait.ge [sflag:s23], $0x1800  }
0x7a: {  	[sflag:s23] =	ssyncset.done $0x0  }
0x7b: {  	s0 =	simm.s32 $0x0;
	[sflag:s23] =	ssyncadd.s32 $0xFFFFE800  }
0x7c: {  	v0 =	vld [tilespmem:s0+$0x97C0]  }
0x7d: {  	v1 =	vld [tilespmem:s0+$0x97D0]  }
0x7e: {  	v2 =	vld [tilespmem:s0+$0x9780]  }
0x7f: {  	v3 =	vld [tilespmem:s0+$0x9790]  }
0x80: {  	v4 =	vld [tilespmem:s0+$0x9740]  }
0x81: {  	v5 =	vld [tilespmem:s0+$0x9750]  }
0x82: {  	v6 =	vld [tilespmem:s0+$0x9700]  }
0x83: {  	v7 =	vld [tilespmem:s0+$0x9710]  }
0x84: {  	v9 =	vld [tilespmem:s0+$0x96C0]  }
0x85: {  	v8 =	vld [tilespmem:s0+$0x96D0]  }
0x86: {  	v11 =	vld [tilespmem:s0+$0x9680]  }
0x87: {  	v10 =	vld [tilespmem:s0+$0x9690]  }
0x88: {  	v17 =	vld [tilespmem:s0+$0x9640]  }
0x89: {  	v16 =	vld [tilespmem:s0+$0x9650]  }
0x8a: {  	v19 =	vld [tilespmem:s0+$0x9600]  }
0x8b: {  	v14 =	vimm.f32 $0.0e+00;
	v20 =	vld [tilespmem:s0+$0x9610]  }
0x8c: {  	v15 =	vimm.f32 $0.0e+00;
	v13 =	vimm.f32 $0.0e+00;
	v12 =	vimm.f32 $0.0e+00;
	s9 =	simm.s32 $0x800;
	v18 =	vld [tilespmem:s0+$0x9620]  }
.LBB2_5:
0x8d: {  	p1 =	sne.s32 s9, $0xC000;
	v21 =	vld [tilespmem:s0+$0x9630]  }
0x8e: {  	v22 =	vld [tilespmem:s0+$0x9660]  }
0x8f: {  	v23 =	vld [tilespmem:s0+$0x9670]  }
0x90: {  	v24 =	vld [tilespmem:s0+$0x96A0]  }
0x91: {  	v12 =	vadd.f32 v19, v12;
	v15 =	vadd.f32 v20, v15;
	v19 =	vld [tilespmem:s0+$0x96B0]  }
0x92: {  	v14 =	vadd.f32 v18, v14;
	v13 =	vadd.f32 v21, v13;
	v18 =	vld [tilespmem:s0+$0x96E0]  }
0x93: {  	v12 =	vadd.f32 v17, v12;
	v15 =	vadd.f32 v16, v15;
	v16 =	vld [tilespmem:s0+$0x96F0]  }
0x94: {  	v14 =	vadd.f32 v22, v14;
	v13 =	vadd.f32 v23, v13;
	v17 =	vld [tilespmem:s0+$0x9720]  }
0x95: {  	v11 =	vadd.f32 v11, v12;
	v10 =	vadd.f32 v10, v15;
	v12 =	vld [tilespmem:s0+$0x9730]  }
0x96: {  	v14 =	vadd.f32 v24, v14;
	v13 =	vadd.f32 v19, v13;
	v15 =	vld [tilespmem:s0+$0x9760]  }
0x97: {  	v9 =	vadd.f32 v9, v11;
	v8 =	vadd.f32 v8, v10;
	v10 =	vld [tilespmem:s0+$0x9770]  }
0x98: {  	v11 =	vadd.f32 v18, v14;
	v13 =	vadd.f32 v16, v13;
	v14 =	vld [tilespmem:s0+$0x97A0]  }
0x99: {  	v6 =	vadd.f32 v6, v9;
	v7 =	vadd.f32 v7, v8;
	v8 =	vld [tilespmem:s0+$0x97B0]  }
0x9a: {  	v9 =	vadd.f32 v17, v11;
	v11 =	vadd.f32 v12, v13;
	v13 =	vld [tilespmem:s0+$0x97E0]  }
0x9b: {  	v4 =	vadd.f32 v4, v6;
	v5 =	vadd.f32 v5, v7;
	v6 =	vld [tilespmem:s0+$0x97F0];
	s0 =	sshra.s32 s9, $0x2  }
0x9c: {  	v9 =	vadd.f32 v15, v9;
	v7 =	vld [tilespmem:s0+$0x97C0];
	v10 =	vadd.f32 v10, v11  }
0x9d: {  	v4 =	vadd.f32 v2, v4;
	v5 =	vadd.f32 v3, v5;
	v11 =	vld [tilespmem:s0+$0x97D0]  }
0x9e: {  	v9 =	vadd.f32 v14, v9;
	v2 =	vld [tilespmem:s0+$0x9780];
	v8 =	vadd.f32 v8, v10  }
0x9f: {  	v12 =	vadd.f32 v0, v4;
	v15 =	vadd.f32 v1, v5;
	v3 =	vld [tilespmem:s0+$0x9790]  }
0xa0: {  	v14 =	vadd.f32 v13, v9;
	v4 =	vld [tilespmem:s0+$0x9740];
	v13 =	vadd.f32 v6, v8  }
0xa1: {  	v5 =	vld [tilespmem:s0+$0x9750];
	v0 =	vmov v7  }
0xa2: {  	v6 =	vld [tilespmem:s0+$0x9700];
	v1 =	vmov v11  }
0xa3: {  	v7 =	vld [tilespmem:s0+$0x9710]  }
0xa4: {  	v9 =	vld [tilespmem:s0+$0x96C0]  }
0xa5: {  	v8 =	vld [tilespmem:s0+$0x96D0]  }
0xa6: {  	v11 =	vld [tilespmem:s0+$0x9680]  }
0xa7: {  	v10 =	vld [tilespmem:s0+$0x9690]  }
.Ltmp1:
0xa8: {  	v17 =	vld [tilespmem:s0+$0x9640];
	(pc) =	sbr.rel @p1 .LBB2_5-.Ltmp1, $4  }
0xa9: {  	v16 =	vld [tilespmem:s0+$0x9650]  }
0xaa: {  	v19 =	vld [tilespmem:s0+$0x9600]  }
0xab: {  	v20 =	vld [tilespmem:s0+$0x9610]  }
0xac: {  	s9 =	sadd.s32 $0x800, s9;
	v18 =	vld [tilespmem:s0+$0x9620]  }
0xad: {  	v21 =	vld [tilespmem:s0+$0x9630]  }
0xae: {  	v22 =	vld [tilespmem:s0+$0x9660]  }
0xaf: {  	v23 =	vld [tilespmem:s0+$0x9670];
	v12 =	vadd.f32 v19, v12  }
0xb0: {  	v19 =	vld [tilespmem:s0+$0x96A0];
	v15 =	vadd.f32 v20, v15  }
0xb1: {  	v20 =	vld [tilespmem:s0+$0x96B0];
	v14 =	vadd.f32 v18, v14;
	v12 =	vadd.f32 v17, v12  }
0xb2: {  	v17 =	vld [tilespmem:s0+$0x96E0];
	v13 =	vadd.f32 v21, v13;
	v15 =	vadd.f32 v16, v15  }
0xb3: {  	v16 =	vld [tilespmem:s0+$0x96F0];
	v14 =	vadd.f32 v22, v14;
	v11 =	vadd.f32 v11, v12  }
0xb4: {  	v12 =	vadd.f32 v23, v13;
	v13 =	vld [tilespmem:s0+$0x9720];
	v10 =	vadd.f32 v10, v15  }
0xb5: {  	v15 =	vld [tilespmem:s0+$0x9730];
	v14 =	vadd.f32 v19, v14;
	v9 =	vadd.f32 v9, v11  }
0xb6: {  	v11 =	vadd.f32 v20, v12;
	v12 =	vld [tilespmem:s0+$0x9760];
	v8 =	vadd.f32 v8, v10  }
0xb7: {  	v10 =	vld [tilespmem:s0+$0x9770];
	v14 =	vadd.f32 v17, v14;
	v6 =	vadd.f32 v6, v9  }
0xb8: {  	v9 =	vadd.f32 v16, v11;
	v11 =	vld [tilespmem:s0+$0x97A0];
	v7 =	vadd.f32 v7, v8  }
0xb9: {  	v8 =	vld [tilespmem:s0+$0x97B0];
	v13 =	vadd.f32 v13, v14;
	v4 =	vadd.f32 v4, v6  }
0xba: {  	v6 =	vadd.f32 v15, v9;
	v9 =	vld [tilespmem:s0+$0x97E0];
	v5 =	vadd.f32 v5, v7  }
0xbb: {  	v7 =	vld [tilespmem:s0+$0x97F0];
	v12 =	vadd.f32 v12, v13;
	v2 =	vadd.f32 v2, v4  }
0xbc: {  	v4 =	vadd.f32 v10, v6;
	v3 =	vadd.f32 v3, v5  }
0xbd: {  	v5 =	vadd.f32 v11, v12;
	v0 =	vadd.f32 v0, v2  }
0xbe: {  	v2 =	vadd.f32 v8, v4;
	v1 =	vadd.f32 v1, v3  }
0xbf: {  	v3 =	vadd.f32 v9, v5;
	v0 =	vmul.f32 $4.999999890e-03, v0  }
0xc0: {  	v2 =	vadd.f32 v7, v2;
	v1 =	vmul.f32 $4.999999890e-03, v1  }
0xc1: {  	[tilespmem:s31+$0x12C40] =	vst v0;
	v0 =	vmul.f32 $4.999999890e-03, v3  }
0xc2: {  	[tilespmem:s31+$0x12C50] =	vst v1;
	v1 =	vmul.f32 $4.999999890e-03, v2  }
0xc3: {  	[tilespmem:s31+$0x12C60] =	vst v0  }
0xc4: {  	s9 =	simm.s32 @!p0 $0x68;
	s11 =	simm.s32 @!p0 $0x9600;
	s0 =	sadd.s32 @!p0 $0x3E8, s1;
	[tilespmem:s31+$0x12C70] =	vst v1  }
0xc5: {  	[tilespmem:s11], [sflag:$0x2] =	stream.indirect.gather @!p0 [hbm4b:s3+s9], $0x40, s0, s9, $0xb8;
	[tilespmem:$0x14C00] =	vst v63  }
0xc6: {  	s0 =	sadd.s32 @!p0 $0x450, s1;
	s9 =	simm.s32 @!p0 $0x60;
	s11 =	simm.s32 @!p0 $0xB000  }
0xc7: {  	[tilespmem:s11], [sflag:$0x2] =	stream.indirect.gather @!p0 [hbm4b:s3+s9], $0x40, s0, s9, $0xb8;
	[tilespmem:$0x14C00] =	vst v63  }
0xc8: {  	_ =	swait.ge [sflag:s24], $0x1A00  }
0xc9: {  	[sflag:s24] =	ssyncset.done $0x0  }
0xca: {  	[sflag:s24] =	ssyncadd.s32 $0xFFFFE600  }
0xcb: {  	_ =	swait.ge [sflag:s24], $0x1800  }
0xcc: {  	[sflag:s24] =	ssyncset.done $0x0  }
0xcd: {  	s0 =	simm.s32 $0x0;
	[sflag:s24] =	ssyncadd.s32 $0xFFFFE800  }
0xce: {  	v0 =	vld [tilespmem:s0+$0xC9C0]  }
0xcf: {  	v1 =	vld [tilespmem:s0+$0xC9D0]  }
0xd0: {  	v2 =	vld [tilespmem:s0+$0xC980]  }
0xd1: {  	v3 =	vld [tilespmem:s0+$0xC990]  }
0xd2: {  	v4 =	vld [tilespmem:s0+$0xC940]  }
0xd3: {  	v5 =	vld [tilespmem:s0+$0xC950]  }
0xd4: {  	v6 =	vld [tilespmem:s0+$0xC900]  }
0xd5: {  	v7 =	vld [tilespmem:s0+$0xC910]  }
0xd6: {  	v9 =	vld [tilespmem:s0+$0xC8C0]  }
0xd7: {  	v8 =	vld [tilespmem:s0+$0xC8D0]  }
0xd8: {  	v11 =	vld [tilespmem:s0+$0xC880]  }
0xd9: {  	v10 =	vld [tilespmem:s0+$0xC890]  }
0xda: {  	v17 =	vld [tilespmem:s0+$0xC840]  }
0xdb: {  	v16 =	vld [tilespmem:s0+$0xC850]  }
0xdc: {  	v19 =	vld [tilespmem:s0+$0xC800]  }
0xdd: {  	v14 =	vimm.f32 $0.0e+00;
	v20 =	vld [tilespmem:s0+$0xC810]  }
0xde: {  	v15 =	vimm.f32 $0.0e+00;
	v13 =	vimm.f32 $0.0e+00;
	v12 =	vimm.f32 $0.0e+00;
	s9 =	simm.s32 $0x800;
	v18 =	vld [tilespmem:s0+$0xC820]  }
.LBB2_7:
0xdf: {  	p1 =	sne.s32 s9, $0xC000;
	v21 =	vld [tilespmem:s0+$0xC830]  }
0xe0: {  	v22 =	vld [tilespmem:s0+$0xC860]  }
0xe1: {  	v23 =	vld [tilespmem:s0+$0xC870]  }
0xe2: {  	v24 =	vld [tilespmem:s0+$0xC8A0]  }
0xe3: {  	v12 =	vadd.f32 v19, v12;
	v15 =	vadd.f32 v20, v15;
	v19 =	vld [tilespmem:s0+$0xC8B0]  }
0xe4: {  	v14 =	vadd.f32 v18, v14;
	v13 =	vadd.f32 v21, v13;
	v18 =	vld [tilespmem:s0+$0xC8E0]  }
0xe5: {  	v12 =	vadd.f32 v17, v12;
	v15 =	vadd.f32 v16, v15;
	v16 =	vld [tilespmem:s0+$0xC8F0]  }
0xe6: {  	v14 =	vadd.f32 v22, v14;
	v13 =	vadd.f32 v23, v13;
	v17 =	vld [tilespmem:s0+$0xC920]  }
0xe7: {  	v11 =	vadd.f32 v11, v12;
	v10 =	vadd.f32 v10, v15;
	v12 =	vld [tilespmem:s0+$0xC930]  }
0xe8: {  	v14 =	vadd.f32 v24, v14;
	v13 =	vadd.f32 v19, v13;
	v15 =	vld [tilespmem:s0+$0xC960]  }
0xe9: {  	v9 =	vadd.f32 v9, v11;
	v8 =	vadd.f32 v8, v10;
	v10 =	vld [tilespmem:s0+$0xC970]  }
0xea: {  	v11 =	vadd.f32 v18, v14;
	v13 =	vadd.f32 v16, v13;
	v14 =	vld [tilespmem:s0+$0xC9A0]  }
0xeb: {  	v6 =	vadd.f32 v6, v9;
	v7 =	vadd.f32 v7, v8;
	v8 =	vld [tilespmem:s0+$0xC9B0]  }
0xec: {  	v9 =	vadd.f32 v17, v11;
	v11 =	vadd.f32 v12, v13;
	v13 =	vld [tilespmem:s0+$0xC9E0]  }
0xed: {  	v4 =	vadd.f32 v4, v6;
	v5 =	vadd.f32 v5, v7;
	v6 =	vld [tilespmem:s0+$0xC9F0];
	s0 =	sshra.s32 s9, $0x2  }
0xee: {  	v9 =	vadd.f32 v15, v9;
	v7 =	vld [tilespmem:s0+$0xC9C0];
	v10 =	vadd.f32 v10, v11  }
0xef: {  	v4 =	vadd.f32 v2, v4;
	v5 =	vadd.f32 v3, v5;
	v11 =	vld [tilespmem:s0+$0xC9D0]  }
0xf0: {  	v9 =	vadd.f32 v14, v9;
	v2 =	vld [tilespmem:s0+$0xC980];
	v8 =	vadd.f32 v8, v10  }
0xf1: {  	v12 =	vadd.f32 v0, v4;
	v15 =	vadd.f32 v1, v5;
	v3 =	vld [tilespmem:s0+$0xC990]  }
0xf2: {  	v14 =	vadd.f32 v13, v9;
	v4 =	vld [tilespmem:s0+$0xC940];
	v13 =	vadd.f32 v6, v8  }
0xf3: {  	v5 =	vld [tilespmem:s0+$0xC950];
	v0 =	vmov v7  }
0xf4: {  	v6 =	vld [tilespmem:s0+$0xC900];
	v1 =	vmov v11  }
0xf5: {  	v7 =	vld [tilespmem:s0+$0xC910]  }
0xf6: {  	v9 =	vld [tilespmem:s0+$0xC8C0]  }
0xf7: {  	v8 =	vld [tilespmem:s0+$0xC8D0]  }
0xf8: {  	v11 =	vld [tilespmem:s0+$0xC880]  }
0xf9: {  	v10 =	vld [tilespmem:s0+$0xC890]  }
.Ltmp2:
0xfa: {  	v17 =	vld [tilespmem:s0+$0xC840];
	(pc) =	sbr.rel @p1 .LBB2_7-.Ltmp2, $4  }
0xfb: {  	v16 =	vld [tilespmem:s0+$0xC850]  }
0xfc: {  	v19 =	vld [tilespmem:s0+$0xC800]  }
0xfd: {  	v20 =	vld [tilespmem:s0+$0xC810]  }
0xfe: {  	s9 =	sadd.s32 $0x800, s9;
	v18 =	vld [tilespmem:s0+$0xC820]  }
0xff: {  	v21 =	vld [tilespmem:s0+$0xC830]  }
0x100: {  	v22 =	vld [tilespmem:s0+$0xC860]  }
0x101: {  	v23 =	vld [tilespmem:s0+$0xC870];
	v12 =	vadd.f32 v19, v12  }
0x102: {  	v19 =	vld [tilespmem:s0+$0xC8A0];
	v15 =	vadd.f32 v20, v15  }
0x103: {  	v20 =	vld [tilespmem:s0+$0xC8B0];
	v14 =	vadd.f32 v18, v14;
	v12 =	vadd.f32 v17, v12  }
0x104: {  	v17 =	vld [tilespmem:s0+$0xC8E0];
	v13 =	vadd.f32 v21, v13;
	v15 =	vadd.f32 v16, v15  }
0x105: {  	v16 =	vld [tilespmem:s0+$0xC8F0];
	v14 =	vadd.f32 v22, v14;
	v11 =	vadd.f32 v11, v12  }
0x106: {  	v12 =	vadd.f32 v23, v13;
	v13 =	vld [tilespmem:s0+$0xC920];
	v10 =	vadd.f32 v10, v15  }
0x107: {  	v15 =	vld [tilespmem:s0+$0xC930];
	v14 =	vadd.f32 v19, v14;
	v9 =	vadd.f32 v9, v11  }
0x108: {  	v11 =	vadd.f32 v20, v12;
	v12 =	vld [tilespmem:s0+$0xC960];
	v8 =	vadd.f32 v8, v10  }
0x109: {  	v10 =	vld [tilespmem:s0+$0xC970];
	v14 =	vadd.f32 v17, v14;
	v6 =	vadd.f32 v6, v9  }
0x10a: {  	v9 =	vadd.f32 v16, v11;
	v11 =	vld [tilespmem:s0+$0xC9A0];
	v7 =	vadd.f32 v7, v8  }
0x10b: {  	v8 =	vld [tilespmem:s0+$0xC9B0];
	v13 =	vadd.f32 v13, v14;
	v4 =	vadd.f32 v4, v6  }
0x10c: {  	v6 =	vadd.f32 v15, v9;
	v9 =	vld [tilespmem:s0+$0xC9E0];
	v5 =	vadd.f32 v5, v7  }
0x10d: {  	v7 =	vld [tilespmem:s0+$0xC9F0];
	v12 =	vadd.f32 v12, v13;
	v2 =	vadd.f32 v2, v4  }
0x10e: {  	v4 =	vadd.f32 v10, v6;
	v3 =	vadd.f32 v3, v5  }
0x10f: {  	v5 =	vadd.f32 v11, v12;
	v0 =	vadd.f32 v0, v2  }
0x110: {  	v2 =	vadd.f32 v8, v4;
	v1 =	vadd.f32 v1, v3  }
0x111: {  	v3 =	vadd.f32 v9, v5;
	v0 =	vmul.f32 $4.999999890e-03, v0  }
0x112: {  	v2 =	vadd.f32 v7, v2;
	v1 =	vmul.f32 $4.999999890e-03, v1  }
0x113: {  	[tilespmem:s31+$0x12C80] =	vst v0;
	v0 =	vmul.f32 $4.999999890e-03, v3  }
0x114: {  	[tilespmem:s31+$0x12C90] =	vst v1;
	v1 =	vmul.f32 $4.999999890e-03, v2  }
0x115: {  	[tilespmem:s31+$0x12CA0] =	vst v0  }
0x116: {  	s9 =	simm.s32 @!p0 $0x68;
	s11 =	simm.s32 @!p0 $0xC800;
	s0 =	sadd.s32 @!p0 $0x4B0, s1;
	[tilespmem:s31+$0x12CB0] =	vst v1  }
0x117: {  	[tilespmem:s11], [sflag:$0x3] =	stream.indirect.gather @!p0 [hbm4b:s3+s9], $0x40, s0, s9, $0xb8;
	[tilespmem:$0x14C00] =	vst v63  }
0x118: {  	s0 =	sadd.s32 @!p0 $0x518, s1;
	s1 =	simm.s32 @!p0 $0x60;
	s9 =	simm.s32 @!p0 $0xE200  }
0x119: {  	[tilespmem:s9], [sflag:$0x3] =	stream.indirect.gather @!p0 [hbm4b:s3+s1], $0x40, s0, s1, $0xb8;
	[tilespmem:$0x14C00] =	vst v63  }
0x11a: {  	_ =	swait.ge [sflag:s25], $0x1A00  }
0x11b: {  	[sflag:s25] =	ssyncset.done $0x0  }
0x11c: {  	[sflag:s25] =	ssyncadd.s32 $0xFFFFE600  }
0x11d: {  	_ =	swait.ge [sflag:s25], $0x1800  }
0x11e: {  	[sflag:s25] =	ssyncset.done $0x0  }
0x11f: {  	s0 =	simm.s32 $0x0;
	[sflag:s25] =	ssyncadd.s32 $0xFFFFE800  }
0x120: {  	v0 =	vld [tilespmem:s0+$0xFBC0]  }
0x121: {  	v1 =	vld [tilespmem:s0+$0xFBD0]  }
0x122: {  	v2 =	vld [tilespmem:s0+$0xFB80]  }
0x123: {  	v3 =	vld [tilespmem:s0+$0xFB90]  }
0x124: {  	v4 =	vld [tilespmem:s0+$0xFB40]  }
0x125: {  	v5 =	vld [tilespmem:s0+$0xFB50]  }
0x126: {  	v6 =	vld [tilespmem:s0+$0xFB00]  }
0x127: {  	v7 =	vld [tilespmem:s0+$0xFB10]  }
0x128: {  	v9 =	vld [tilespmem:s0+$0xFAC0]  }
0x129: {  	v8 =	vld [tilespmem:s0+$0xFAD0]  }
0x12a: {  	v11 =	vld [tilespmem:s0+$0xFA80]  }
0x12b: {  	v10 =	vld [tilespmem:s0+$0xFA90]  }
0x12c: {  	v17 =	vld [tilespmem:s0+$0xFA40]  }
0x12d: {  	v16 =	vld [tilespmem:s0+$0xFA50]  }
0x12e: {  	v19 =	vld [tilespmem:s0+$0xFA00]  }
0x12f: {  	v14 =	vimm.f32 $0.0e+00;
	v20 =	vld [tilespmem:s0+$0xFA10]  }
0x130: {  	v15 =	vimm.f32 $0.0e+00;
	v13 =	vimm.f32 $0.0e+00;
	v12 =	vimm.f32 $0.0e+00;
	s1 =	simm.s32 $0x800;
	v18 =	vld [tilespmem:s0+$0xFA20]  }
.LBB2_9:
0x131: {  	p0 =	sne.s32 s1, $0xC000;
	v21 =	vld [tilespmem:s0+$0xFA30]  }
0x132: {  	v22 =	vld [tilespmem:s0+$0xFA60]  }
0x133: {  	v23 =	vld [tilespmem:s0+$0xFA70]  }
0x134: {  	v24 =	vld [tilespmem:s0+$0xFAA0]  }
0x135: {  	v12 =	vadd.f32 v19, v12;
	v15 =	vadd.f32 v20, v15;
	v19 =	vld [tilespmem:s0+$0xFAB0]  }
0x136: {  	v14 =	vadd.f32 v18, v14;
	v13 =	vadd.f32 v21, v13;
	v18 =	vld [tilespmem:s0+$0xFAE0]  }
0x137: {  	v12 =	vadd.f32 v17, v12;
	v15 =	vadd.f32 v16, v15;
	v16 =	vld [tilespmem:s0+$0xFAF0]  }
0x138: {  	v14 =	vadd.f32 v22, v14;
	v13 =	vadd.f32 v23, v13;
	v17 =	vld [tilespmem:s0+$0xFB20]  }
0x139: {  	v11 =	vadd.f32 v11, v12;
	v10 =	vadd.f32 v10, v15;
	v12 =	vld [tilespmem:s0+$0xFB30]  }
0x13a: {  	v14 =	vadd.f32 v24, v14;
	v13 =	vadd.f32 v19, v13;
	v15 =	vld [tilespmem:s0+$0xFB60]  }
0x13b: {  	v9 =	vadd.f32 v9, v11;
	v8 =	vadd.f32 v8, v10;
	v10 =	vld [tilespmem:s0+$0xFB70]  }
0x13c: {  	v11 =	vadd.f32 v18, v14;
	v13 =	vadd.f32 v16, v13;
	v14 =	vld [tilespmem:s0+$0xFBA0]  }
0x13d: {  	v6 =	vadd.f32 v6, v9;
	v7 =	vadd.f32 v7, v8;
	v8 =	vld [tilespmem:s0+$0xFBB0]  }
0x13e: {  	v9 =	vadd.f32 v17, v11;
	v11 =	vadd.f32 v12, v13;
	v13 =	vld [tilespmem:s0+$0xFBE0]  }
0x13f: {  	v4 =	vadd.f32 v4, v6;
	v5 =	vadd.f32 v5, v7;
	v6 =	vld [tilespmem:s0+$0xFBF0];
	s0 =	sshra.s32 s1, $0x2  }
0x140: {  	v9 =	vadd.f32 v15, v9;
	v7 =	vld [tilespmem:s0+$0xFBC0];
	v10 =	vadd.f32 v10, v11  }
0x141: {  	v4 =	vadd.f32 v2, v4;
	v5 =	vadd.f32 v3, v5;
	v11 =	vld [tilespmem:s0+$0xFBD0]  }
0x142: {  	v9 =	vadd.f32 v14, v9;
	v2 =	vld [tilespmem:s0+$0xFB80];
	v8 =	vadd.f32 v8, v10  }
0x143: {  	v12 =	vadd.f32 v0, v4;
	v15 =	vadd.f32 v1, v5;
	v3 =	vld [tilespmem:s0+$0xFB90]  }
0x144: {  	v14 =	vadd.f32 v13, v9;
	v4 =	vld [tilespmem:s0+$0xFB40];
	v13 =	vadd.f32 v6, v8  }
0x145: {  	v5 =	vld [tilespmem:s0+$0xFB50];
	v0 =	vmov v7  }
0x146: {  	v6 =	vld [tilespmem:s0+$0xFB00];
	v1 =	vmov v11  }
0x147: {  	v7 =	vld [tilespmem:s0+$0xFB10]  }
0x148: {  	v9 =	vld [tilespmem:s0+$0xFAC0]  }
0x149: {  	v8 =	vld [tilespmem:s0+$0xFAD0]  }
0x14a: {  	v11 =	vld [tilespmem:s0+$0xFA80]  }
0x14b: {  	v10 =	vld [tilespmem:s0+$0xFA90]  }
.Ltmp3:
0x14c: {  	v17 =	vld [tilespmem:s0+$0xFA40];
	(pc) =	sbr.rel @p0 .LBB2_9-.Ltmp3, $4  }
0x14d: {  	v16 =	vld [tilespmem:s0+$0xFA50]  }
0x14e: {  	v19 =	vld [tilespmem:s0+$0xFA00]  }
0x14f: {  	v20 =	vld [tilespmem:s0+$0xFA10]  }
0x150: {  	s1 =	sadd.s32 $0x800, s1;
	v18 =	vld [tilespmem:s0+$0xFA20]  }
0x151: {  	v21 =	vld [tilespmem:s0+$0xFA30]  }
0x152: {  	v22 =	vld [tilespmem:s0+$0xFA60]  }
0x153: {  	v23 =	vld [tilespmem:s0+$0xFA70];
	v12 =	vadd.f32 v19, v12  }
0x154: {  	v42 =	vld [tilespmem:s0+$0xFAA0];
	v15 =	vadd.f32 v20, v15  }
0x155: {  	v43 =	vld [tilespmem:s0+$0xFAB0];
	v14 =	vadd.f32 v18, v14;
	v12 =	vadd.f32 v17, v12  }
0x156: {  	v44 =	vld [tilespmem:s0+$0xFAE0];
	v13 =	vadd.f32 v21, v13;
	v15 =	vadd.f32 v16, v15  }
0x157: {  	v45 =	vld [tilespmem:s0+$0xFAF0];
	v14 =	vadd.f32 v22, v14;
	v11 =	vadd.f32 v11, v12  }
0x158: {  	v47 =	vld [tilespmem:s0+$0xFB20];
	v46 =	vadd.f32 v23, v13;
	v10 =	vadd.f32 v10, v15  }
0x159: {  	v48 =	vld [tilespmem:s0+$0xFB30];
	v14 =	vadd.f32 v42, v14;
	v9 =	vadd.f32 v9, v11  }
0x15a: {  	v50 =	vld [tilespmem:s0+$0xFB60];
	v49 =	vadd.f32 v43, v46;
	v8 =	vadd.f32 v8, v10  }
0x15b: {  	v51 =	vld [tilespmem:s0+$0xFB70];
	v14 =	vadd.f32 v44, v14;
	v6 =	vadd.f32 v6, v9  }
0x15c: {  	v53 =	vld [tilespmem:s0+$0xFBA0];
	v52 =	vadd.f32 v45, v49;
	v7 =	vadd.f32 v7, v8  }
0x15d: {  	v54 =	vld [tilespmem:s0+$0xFBB0];
	v13 =	vadd.f32 v47, v14;
	v4 =	vadd.f32 v4, v6  }
0x15e: {  	v56 =	vld [tilespmem:s0+$0xFBE0];
	v55 =	vadd.f32 v48, v52;
	v5 =	vadd.f32 v5, v7  }
0x15f: {  	v57 =	vld [tilespmem:s0+$0xFBF0];
	v12 =	vadd.f32 v50, v13;
	v2 =	vadd.f32 v2, v4  }
0x160: {  	v58 =	vadd.f32 v51, v55;
	v3 =	vadd.f32 v3, v5  }
0x161: {  	v59 =	vadd.f32 v53, v12;
	v0 =	vadd.f32 v0, v2  }
0x162: {  	s29 =	sadd.s32 $0x1, s29;
	v60 =	vadd.f32 v54, v58;
	v1 =	vadd.f32 v1, v3  }
0x163: {  	s31 =	sshll.u32 s30, $0x6;
	p0 =	sne.s32 s29, $0x20;
	v61 =	vadd.f32 v56, v59;
	v0 =	vmul.f32 $4.999999890e-03, v0  }
.Ltmp4:
0x164: {  	s0 =	sand.u32 $0x3FFFFFC0, s31;
	v2 =	vadd.f32 v57, v60;
	v1 =	vmul.f32 $4.999999890e-03, v1;
	(pc) =	sbr.rel @p0 .LBB2_2-.Ltmp4, $4  }
0x165: {  	[tilespmem:s0+$0x12C00] =	vst v0;
	v62 =	vmul.f32 $4.999999890e-03, v61  }
0x166: {  	[tilespmem:s0+$0x12C10] =	vst v1;
	v63 =	vmul.f32 $4.999999890e-03, v2  }
0x167: {  	[tilespmem:s0+$0x12C20] =	vst v62  }
0x168: {  	[tilespmem:s0+$0x12C30] =	vst v63  }
0x169: {  	s28 =	sadd.s32 $0x1, s28  }
0x16a: {  	p0 =	sne.s32 s28, s6  }
.Ltmp5:
0x16b: {  	_ = 	snop;
	(pc) =	sbr.rel @p0 .LBB2_1-.Ltmp5, $4  }
0x16c: {  	[hbm4b:s5+s2] =	stream.linear.scatter [tilespmem:s26], [sflag:$0x5], $0x2000, $0x38;
	[tilespmem:$0x14C00] =	vst v63  }
0x16d: {  	_ =	swait.ge [sflag:s7], $0x2000  }
0x16e: {  	[sflag:s7] =	ssyncset.done $0x0  }
0x16f: {  	[sflag:s7] =	ssyncadd.s32 $0xFFFFE000  }
0x170: {  	_ =	sfence.sel $0x180000  }
0x171: {  	[bflag:$0x0] =	sbarrier.arrive $0xFFFF  }
0x172: {  	_ =	strace $0x90000047  }
0x173: {  	s0 =	stileid.u32;
	[bflag:$0x2] =	sbarrier.arrive $0xFFFF  }
0x174: {  	p0 =	sne.s32 s0, $0x0;
	s0 =	rddreg [dreg:$0x2]  }
0x175: {  	s0 =	sadd.s32 @!p0 $0x100000, s0  }
0x176: {  	[sflag:s0] =	ssyncadd.tile.s32 @!p0 $0x1;
	_ =	shalt  }
.Lfunc_end2:
_tile_overlayer_lowered:
.L_overlay_start_2:
0x177: {  	(tag) =	ssettag $0x2  }
0x178: {  	s0 =	rddreg [dreg:$0x0];
	s2 =	stileid.u32  }
0x179: {  	s1 =	rddreg [dreg:$0x1];
	p0 =	sne.s32 s2, $0x0  }
0x17a: {  	s3 =	rddreg [dreg:$0x2];
	[bflag:$0x3] =	sbarrier.arrive $0xFFFF;
	s2 =	simm.s32 @!p0 $0x1C05  }
0x17b: {  	[timem:s3], [sflag:s2] =	dma.local @!p0 [hbm:s0], s1  }
0x17c: {  	s0 =	simm.s32 @!p0 $0x5  }
0x17d: {  	_ =	swait.ge @!p0 [sflag:s0], s1  }
0x17e: {  	s1 =	ssub.s32 @!p0 $0x0, s1;
	[sflag:s0] =	ssyncset.done @!p0 $0x0  }
0x17f: {  	[sflag:s0] =	ssyncadd.s32 @!p0 s1  }
0x180: {  	[bflag:$0x3] =	sbarrier.arrive $0xFFFF  }
0x181: {  	_ =	shalt  }

</sc_bundles>
